<compile_context>
chip_gen: v7x
topology: tpu7x:2x2x1
jax: 0.10.2.dev20260603
libtpu: 0.0.44.dev20260713+nightly
codegen_flags: <defaults>
</compile_context>

<pallas_src>
import functools

import jax
import jax.numpy as jnp
from jax import lax
from jax.experimental import pallas as pl
from jax.experimental.pallas import tpu as pltpu
from jax.experimental.pallas import tpu_sc as plsc

N_NODES = 10000
N_EDGES = 320000
D = 128

NC = 2
NS = 16
L = 16
NW = NC * NS

K = 80
EPW = N_EDGES // NW
N_CHUNKS = EPW // K
NSLAB = 5
CPS = N_CHUNKS // NSLAB
GPS = CPS * K // L
NPAD = 10240
RPT = NPAD // NS
RED = NPAD // NS


def _sc_aggregate(x, src4, dst4, dgrp4, zrows, zflat):
    mesh = plsc.VectorSubcoreMesh(core_axis_name="c", subcore_axis_name="s")

    @functools.partial(
        pl.kernel,
        mesh=mesh,
        compiler_params=pltpu.CompilerParams(needs_layout_passes=False),
        out_type=[
            jax.ShapeDtypeStruct((NC, NPAD, D), jnp.float32),
            jax.ShapeDtypeStruct((NC, NS, NPAD), jnp.float32),
        ],
        scratch_types=[
            pltpu.VMEM((CPS, K), jnp.int32),
            pltpu.VMEM((CPS, K), jnp.int32),
            pltpu.VMEM((GPS, L), jnp.int32),
            pltpu.VMEM((K, D), jnp.float32),
            pltpu.VMEM((NPAD,), jnp.float32),
            pltpu.VMEM_SHARED((NPAD, D), jnp.float32),
            pltpu.SemaphoreType.DMA,
        ],
    )
    def agg(x_hbm, src_hbm, dst_hbm, dgrp_hbm, zrows_hbm, zflat_hbm,
            acc_out, cnt_out,
            sidx_v, didx_v, dgrp_v, rows_v, cnt_t,
            acc_sh, sem):
        cid = lax.axis_index("c")
        sid = lax.axis_index("s")
        wid = sid * NC + cid
        r0 = sid * RPT
        pltpu.sync_copy(zrows_hbm, rows_v)
        pltpu.sync_copy(zflat_hbm, cnt_t)

        @pl.loop(0, RPT // K)
        def zinit(t):
            pltpu.sync_copy(rows_v, acc_sh.at[pl.ds(r0 + t * K, K)])

        plsc.subcore_barrier()

        @pl.loop(0, NSLAB)
        def slab(s):
            pltpu.sync_copy(src_hbm.at[wid, s], sidx_v)
            pltpu.sync_copy(dst_hbm.at[wid, s], didx_v)
            pltpu.sync_copy(dgrp_hbm.at[wid, s], dgrp_v)

            @pl.loop(0, CPS)
            def chunk(j):
                pltpu.async_copy(x_hbm.at[sidx_v.at[j]], rows_v, sem).wait()
                pltpu.sync_copy(rows_v, acc_sh.at[didx_v.at[j]], add=True)

            @pl.loop(0, GPS)
            def grp(g):
                d = dgrp_v[g]
                c, m = plsc.scan_count(d)
                plsc.addupdate_scatter(cnt_t, [d], c.astype(jnp.float32),
                                       mask=m)

        plsc.subcore_barrier()
        pltpu.sync_copy(cnt_t, cnt_out.at[cid, sid])

        @pl.loop(0, RPT // K)
        def export(t):
            off = r0 + t * K
            pltpu.sync_copy(acc_sh.at[pl.ds(off, K)], rows_v)
            pltpu.sync_copy(rows_v, acc_out.at[cid, pl.ds(off, K)])

    return agg(x, src4, dst4, dgrp4, zrows, zflat)


BN = 2560


def _tc_finalize(acc, cnt2, wt, b2):
    def body(acc_ref, cnt_ref, wt_ref, b_ref, o_ref):
        i = pl.program_id(0)
        a = acc_ref[0] + acc_ref[1]
        rb = BN // 128
        craw = cnt_ref[0, pl.ds(i * rb, rb), :]
        for k in range(1, NC * NS):
            craw = craw + cnt_ref[k, pl.ds(i * rb, rb), :]
        nl_r = lax.broadcasted_iota(jnp.int32, (BN, rb), 0)
        kk = lax.broadcasted_iota(jnp.int32, (BN, rb), 1)
        sel_row = (kk == nl_r // 128).astype(jnp.float32)
        nl_c = lax.broadcasted_iota(jnp.int32, (BN, D), 0)
        ll = lax.broadcasted_iota(jnp.int32, (BN, D), 1)
        sel_col = (ll == nl_c % 128).astype(jnp.float32)
        crows = jnp.dot(sel_row, craw, preferred_element_type=jnp.float32)
        c = jnp.sum(crows * sel_col, axis=1, keepdims=True)
        m = jnp.dot(a, wt_ref[...], preferred_element_type=jnp.float32)
        m = (m + c * b_ref[...]) / jnp.maximum(c, 1.0)
        o_ref[...] = jnp.maximum(m, 0.0)

    return pl.pallas_call(
        body,
        grid=(NPAD // BN,),
        in_specs=[
            pl.BlockSpec((NC, BN, D), lambda i: (0, i, 0)),
            pl.BlockSpec((NC * NS, NPAD // 128, 128), lambda i: (0, 0, 0)),
            pl.BlockSpec((D, D), lambda i: (0, 0)),
            pl.BlockSpec((1, D), lambda i: (0, 0)),
        ],
        out_specs=pl.BlockSpec((BN, D), lambda i: (i, 0)),
        out_shape=jax.ShapeDtypeStruct((N_NODES, D), jnp.float32),
    )(acc, cnt2, wt, b2)


def kernel(x, edge_index, edge_features, W, b):
    del edge_features
    src4 = edge_index[0].reshape(NW, NSLAB, CPS, K)
    dst4 = edge_index[1].reshape(NW, NSLAB, CPS, K)
    dgrp4 = edge_index[1].reshape(NW, NSLAB, GPS, L)
    zrows = jnp.zeros((K, D), jnp.float32)
    zflat = jnp.zeros((NPAD,), jnp.float32)
    acc, cnt = _sc_aggregate(x, src4, dst4, dgrp4, zrows, zflat)
    cnt2 = cnt.reshape(NC * NS, NPAD // 128, 128)
    return _tc_finalize(acc, cnt2, W.T, b.reshape(1, D))

# --- scband reference (transcript-rebuilt; emitter-appended) ---
"""Pipeline reference for scband-gcnlayer-37503654428949 (READ-ONLY COPY).

The authoritative reference and input builder live on the scoring server;
editing this copy changes nothing except your own understanding.
"""

import jax, jax.numpy as jnp
import numpy as np

N_NODES = 10000
N_EDGES = 320000
D_IN = 128
D_OUT = 128
D_EDGE = 4


def setup_inputs(seed: int = 0) -> dict:
    key = jax.random.key(seed)
    k1, k2, k3, k4, k5 = jax.random.split(key, 5)
    x = jax.random.normal(k1, (N_NODES, D_IN), dtype=jnp.float32)
    edge_index = jax.random.randint(k2, (2, N_EDGES), 0, N_NODES, dtype=jnp.int32)
    edge_features = jax.random.normal(k3, (N_EDGES, D_EDGE), dtype=jnp.float32)
    # nn.Linear(in_features, out_features): W [out, in], b [out]
    bound = 1.0 / np.sqrt(D_IN)
    W = jax.random.uniform(k4, (D_OUT, D_IN), dtype=jnp.float32, minval=-bound, maxval=bound)
    b = jax.random.uniform(k5, (D_OUT,), dtype=jnp.float32, minval=-bound, maxval=bound)
    return {"x": x, "edge_index": edge_index, "edge_features": edge_features, "W": W, "b": b}


def reference(x, edge_index, edge_features, W, b):
    src_nodes = edge_index[0]
    dst_nodes = edge_index[1]
    # gather source node features
    src_features = jnp.take(x, src_nodes, axis=0)
    # linear: messages = src_features @ W.T + b
    messages = src_features @ W.T + b
    # scatter-add messages to destination nodes
    out = jnp.zeros((x.shape[0], W.shape[0]), dtype=messages.dtype).at[dst_nodes].add(messages)
    # count neighbors per destination node
    neighbor_counts = jnp.zeros((x.shape[0],), dtype=messages.dtype).at[dst_nodes].add(
        jnp.ones_like(dst_nodes, dtype=messages.dtype)
    )
    neighbor_counts = jnp.clip(neighbor_counts, 1.0, None)
    out = out / neighbor_counts[:, None]
    return jax.nn.relu(out)

if __name__ == "__main__":
    import jax
    _d = setup_inputs()
    print(jax.jit(kernel)(*tuple(_d.values())))

</pallas_src>

<mosaic_0001>
#map = affine_map<(d0, d1) -> (0, 0)>
#map1 = affine_map<(d0, d1) -> (0, 0, 0, 0)>
#map2 = affine_map<(d0, d1) -> (0)>
#map3 = affine_map<(d0, d1) -> (0, 0, 0)>
module attributes {stable_mosaic.version = 14 : i64} {
  func.func @agg(%arg0: i32, %arg1: i32, %arg2: memref<10000x128xf32, #tpu.memory_space<hbm>>, %arg3: memref<32x5x25x80xi32, #tpu.memory_space<hbm>>, %arg4: memref<32x5x25x80xi32, #tpu.memory_space<hbm>>, %arg5: memref<32x5x125x16xi32, #tpu.memory_space<hbm>>, %arg6: memref<80x128xf32, #tpu.memory_space<hbm>>, %arg7: memref<10240xf32, #tpu.memory_space<hbm>>, %arg8: memref<2x10240x128xf32, #tpu.memory_space<hbm>>, %arg9: memref<2x16x10240xf32, #tpu.memory_space<hbm>>, %arg10: memref<25x80xi32, #tpu.memory_space<vmem>>, %arg11: memref<25x80xi32, #tpu.memory_space<vmem>>, %arg12: memref<125x16xi32, #tpu.memory_space<vmem>>, %arg13: memref<80x128xf32, #tpu.memory_space<vmem>>, %arg14: memref<10240xf32, #tpu.memory_space<vmem>>, %arg15: memref<10240x128xf32, #tpu.memory_space<vmem_shared>>, %arg16: memref<!tpu.dma_semaphore, #tpu.memory_space<semaphore_mem>>) attributes {dimension_semantics = [#tpu.dimension_semantics<core_parallel>, #tpu.dimension_semantics<subcore_parallel>], iteration_bounds = array<i64: 2, 16>, scalar_prefetch = 0 : i64, scratch_operands = 7 : i64, tpu.core_type = #tpu.core_type<sc_vector_subcore>, window_params = [{transform_indices = #map}, {transform_indices = #map1}, {transform_indices = #map1}, {transform_indices = #map1}, {transform_indices = #map}, {transform_indices = #map2}, {transform_indices = #map3}, {transform_indices = #map3}]} {
    %mul3A = arith.constant 2 : i32
    %mul3A_0 = arith.muli %arg1, %mul3A : i32
    %add3A = arith.addi %mul3A_0, %arg0 : i32
    %mul3A_1 = arith.constant 640 : i32
    %mul3A_2 = arith.muli %arg1, %mul3A_1 : i32
    "tpu.region"() ({
      %run_scoped3A = tpu.sem_alloc : memref<!tpu.dma_semaphore, #tpu.memory_space<semaphore_mem>>
      tpu.enqueue_dma source(%arg6 : memref<80x128xf32, #tpu.memory_space<hbm>>) target(%arg13 : memref<80x128xf32, #tpu.memory_space<vmem>>) target_semaphore(%run_scoped3A : memref<!tpu.dma_semaphore, #tpu.memory_space<semaphore_mem>>)
      tpu.wait_dma2 semaphore(%run_scoped3A : memref<!tpu.dma_semaphore, #tpu.memory_space<semaphore_mem>>) src(%arg6 : memref<80x128xf32, #tpu.memory_space<hbm>>) dst(%arg13 : memref<80x128xf32, #tpu.memory_space<vmem>>)
      tpu.yield
    }) : () -> ()
    "tpu.region"() ({
      %run_scoped3A = tpu.sem_alloc : memref<!tpu.dma_semaphore, #tpu.memory_space<semaphore_mem>>
      tpu.enqueue_dma source(%arg7 : memref<10240xf32, #tpu.memory_space<hbm>>) target(%arg14 : memref<10240xf32, #tpu.memory_space<vmem>>) target_semaphore(%run_scoped3A : memref<!tpu.dma_semaphore, #tpu.memory_space<semaphore_mem>>)
      tpu.wait_dma2 semaphore(%run_scoped3A : memref<!tpu.dma_semaphore, #tpu.memory_space<semaphore_mem>>) src(%arg7 : memref<10240xf32, #tpu.memory_space<hbm>>) dst(%arg14 : memref<10240xf32, #tpu.memory_space<vmem>>)
      tpu.yield
    }) : () -> ()
    %scan3A = arith.constant 0 : i32
    %scan3A_3 = arith.constant 8 : i32
    %scan3A_4 = arith.addi %scan3A, %scan3A_3 : i32
    %scan3A_5 = arith.constant 1 : i32
    scf.for %scan3A_18 = %scan3A to %scan3A_4 step %scan3A_5  : i32 {
      %mul3A_19 = arith.constant 1 : i32
      %mul3A_20 = arith.muli %scan3A_18, %mul3A_19 : i32
      %add3A_21 = arith.constant 0 : i32
      %add3A_22 = arith.addi %add3A_21, %mul3A_20 : i32
      %mul3A_23 = arith.constant 80 : i32
      %mul3A_24 = arith.muli %add3A_22, %mul3A_23 : i32
      %add3A_25 = arith.addi %mul3A_2, %mul3A_24 : i32
      "tpu.region"() ({
        %run_scoped3A = tpu.sem_alloc : memref<!tpu.dma_semaphore, #tpu.memory_space<semaphore_mem>>
        %dma_start3A = arith.constant 0 : i32
        %dma_start3A_26 = tpu.memref_slice %arg15[%add3A_25, %dma_start3A] : memref<10240x128xf32, #tpu.memory_space<vmem_shared>> -> memref<80x128xf32, #tpu.memory_space<vmem_shared>>
        %dma_start3A_27 = arith.constant 0 : i32
        %dma_start3A_28 = tpu.memref_slice %arg15[%add3A_25, %dma_start3A_27] : memref<10240x128xf32, #tpu.memory_space<vmem_shared>> -> memref<80x128xf32, #tpu.memory_space<vmem_shared>>
        tpu.enqueue_dma source(%arg13 : memref<80x128xf32, #tpu.memory_space<vmem>>) target(%dma_start3A_28 : memref<80x128xf32, #tpu.memory_space<vmem_shared>>) target_semaphore(%run_scoped3A : memref<!tpu.dma_semaphore, #tpu.memory_space<semaphore_mem>>)
        %dma_wait3A = arith.constant 0 : i32
        %dma_wait3A_29 = tpu.memref_slice %arg15[%add3A_25, %dma_wait3A] : memref<10240x128xf32, #tpu.memory_space<vmem_shared>> -> memref<80x128xf32, #tpu.memory_space<vmem_shared>>
        %dma_wait3A_30 = arith.constant 0 : i32
        %dma_wait3A_31 = tpu.memref_slice %arg15[%add3A_25, %dma_wait3A_30] : memref<10240x128xf32, #tpu.memory_space<vmem_shared>> -> memref<80x128xf32, #tpu.memory_space<vmem_shared>>
        tpu.wait_dma2 semaphore(%run_scoped3A : memref<!tpu.dma_semaphore, #tpu.memory_space<semaphore_mem>>) src(%arg13 : memref<80x128xf32, #tpu.memory_space<vmem>>) dst(%dma_wait3A_31 : memref<80x128xf32, #tpu.memory_space<vmem_shared>>)
        tpu.yield
      }) : () -> ()
    }
    %scan3A_6 = arith.constant 8 : i32
    %barrier3A = arith.constant 0 : index
    tpu.barrier barrier_id(%barrier3A)
    %scan3A_7 = arith.constant 0 : i32
    %scan3A_8 = arith.constant 5 : i32
    %scan3A_9 = arith.addi %scan3A_7, %scan3A_8 : i32
    %scan3A_10 = arith.constant 1 : i32
    scf.for %scan3A_18 = %scan3A_7 to %scan3A_9 step %scan3A_10  : i32 {
      %mul3A_19 = arith.constant 1 : i32
      %mul3A_20 = arith.muli %scan3A_18, %mul3A_19 : i32
      %add3A_21 = arith.constant 0 : i32
      %add3A_22 = arith.addi %add3A_21, %mul3A_20 : i32
      "tpu.region"() ({
        %run_scoped3A = tpu.sem_alloc : memref<!tpu.dma_semaphore, #tpu.memory_space<semaphore_mem>>
        %dma_start3A = arith.constant 0 : i32
        %dma_start3A_33 = arith.constant 0 : i32
        %dma_start3A_34 = tpu.memref_slice %arg3[%add3A, %add3A_22, %dma_start3A, %dma_start3A_33] : memref<32x5x25x80xi32, #tpu.memory_space<hbm>> -> memref<1x1x25x80xi32, #tpu.memory_space<hbm>>
        %dma_start3A_35 = tpu.memref_squeeze %dma_start3A_34 : memref<1x1x25x80xi32, #tpu.memory_space<hbm>> -> memref<25x80xi32, #tpu.memory_space<hbm>>
        %dma_start3A_36 = arith.constant 0 : i32
        %dma_start3A_37 = arith.constant 0 : i32
        %dma_start3A_38 = tpu.memref_slice %arg3[%add3A, %add3A_22, %dma_start3A_36, %dma_start3A_37] : memref<32x5x25x80xi32, #tpu.memory_space<hbm>> -> memref<1x1x25x80xi32, #tpu.memory_space<hbm>>
        %dma_start3A_39 = tpu.memref_squeeze %dma_start3A_38 : memref<1x1x25x80xi32, #tpu.memory_space<hbm>> -> memref<25x80xi32, #tpu.memory_space<hbm>>
        tpu.enqueue_dma source(%dma_start3A_39 : memref<25x80xi32, #tpu.memory_space<hbm>>) target(%arg10 : memref<25x80xi32, #tpu.memory_space<vmem>>) target_semaphore(%run_scoped3A : memref<!tpu.dma_semaphore, #tpu.memory_space<semaphore_mem>>)
        %dma_wait3A = arith.constant 0 : i32
        %dma_wait3A_40 = arith.constant 0 : i32
        %dma_wait3A_41 = tpu.memref_slice %arg3[%add3A, %add3A_22, %dma_wait3A, %dma_wait3A_40] : memref<32x5x25x80xi32, #tpu.memory_space<hbm>> -> memref<1x1x25x80xi32, #tpu.memory_space<hbm>>
        %dma_wait3A_42 = tpu.memref_squeeze %dma_wait3A_41 : memref<1x1x25x80xi32, #tpu.memory_space<hbm>> -> memref<25x80xi32, #tpu.memory_space<hbm>>
        %dma_wait3A_43 = arith.constant 0 : i32
        %dma_wait3A_44 = arith.constant 0 : i32
        %dma_wait3A_45 = tpu.memref_slice %arg3[%add3A, %add3A_22, %dma_wait3A_43, %dma_wait3A_44] : memref<32x5x25x80xi32, #tpu.memory_space<hbm>> -> memref<1x1x25x80xi32, #tpu.memory_space<hbm>>
        %dma_wait3A_46 = tpu.memref_squeeze %dma_wait3A_45 : memref<1x1x25x80xi32, #tpu.memory_space<hbm>> -> memref<25x80xi32, #tpu.memory_space<hbm>>
        tpu.wait_dma2 semaphore(%run_scoped3A : memref<!tpu.dma_semaphore, #tpu.memory_space<semaphore_mem>>) src(%dma_wait3A_46 : memref<25x80xi32, #tpu.memory_space<hbm>>) dst(%arg10 : memref<25x80xi32, #tpu.memory_space<vmem>>)
        tpu.yield
      }) : () -> ()
      "tpu.region"() ({
        %run_scoped3A = tpu.sem_alloc : memref<!tpu.dma_semaphore, #tpu.memory_space<semaphore_mem>>
        %dma_start3A = arith.constant 0 : i32
        %dma_start3A_33 = arith.constant 0 : i32
        %dma_start3A_34 = tpu.memref_slice %arg4[%add3A, %add3A_22, %dma_start3A, %dma_start3A_33] : memref<32x5x25x80xi32, #tpu.memory_space<hbm>> -> memref<1x1x25x80xi32, #tpu.memory_space<hbm>>
        %dma_start3A_35 = tpu.memref_squeeze %dma_start3A_34 : memref<1x1x25x80xi32, #tpu.memory_space<hbm>> -> memref<25x80xi32, #tpu.memory_space<hbm>>
        %dma_start3A_36 = arith.constant 0 : i32
        %dma_start3A_37 = arith.constant 0 : i32
        %dma_start3A_38 = tpu.memref_slice %arg4[%add3A, %add3A_22, %dma_start3A_36, %dma_start3A_37] : memref<32x5x25x80xi32, #tpu.memory_space<hbm>> -> memref<1x1x25x80xi32, #tpu.memory_space<hbm>>
        %dma_start3A_39 = tpu.memref_squeeze %dma_start3A_38 : memref<1x1x25x80xi32, #tpu.memory_space<hbm>> -> memref<25x80xi32, #tpu.memory_space<hbm>>
        tpu.enqueue_dma source(%dma_start3A_39 : memref<25x80xi32, #tpu.memory_space<hbm>>) target(%arg11 : memref<25x80xi32, #tpu.memory_space<vmem>>) target_semaphore(%run_scoped3A : memref<!tpu.dma_semaphore, #tpu.memory_space<semaphore_mem>>)
        %dma_wait3A = arith.constant 0 : i32
        %dma_wait3A_40 = arith.constant 0 : i32
        %dma_wait3A_41 = tpu.memref_slice %arg4[%add3A, %add3A_22, %dma_wait3A, %dma_wait3A_40] : memref<32x5x25x80xi32, #tpu.memory_space<hbm>> -> memref<1x1x25x80xi32, #tpu.memory_space<hbm>>
        %dma_wait3A_42 = tpu.memref_squeeze %dma_wait3A_41 : memref<1x1x25x80xi32, #tpu.memory_space<hbm>> -> memref<25x80xi32, #tpu.memory_space<hbm>>
        %dma_wait3A_43 = arith.constant 0 : i32
        %dma_wait3A_44 = arith.constant 0 : i32
        %dma_wait3A_45 = tpu.memref_slice %arg4[%add3A, %add3A_22, %dma_wait3A_43, %dma_wait3A_44] : memref<32x5x25x80xi32, #tpu.memory_space<hbm>> -> memref<1x1x25x80xi32, #tpu.memory_space<hbm>>
        %dma_wait3A_46 = tpu.memref_squeeze %dma_wait3A_45 : memref<1x1x25x80xi32, #tpu.memory_space<hbm>> -> memref<25x80xi32, #tpu.memory_space<hbm>>
        tpu.wait_dma2 semaphore(%run_scoped3A : memref<!tpu.dma_semaphore, #tpu.memory_space<semaphore_mem>>) src(%dma_wait3A_46 : memref<25x80xi32, #tpu.memory_space<hbm>>) dst(%arg11 : memref<25x80xi32, #tpu.memory_space<vmem>>)
        tpu.yield
      }) : () -> ()
      "tpu.region"() ({
        %run_scoped3A = tpu.sem_alloc : memref<!tpu.dma_semaphore, #tpu.memory_space<semaphore_mem>>
        %dma_start3A = arith.constant 0 : i32
        %dma_start3A_33 = arith.constant 0 : i32
        %dma_start3A_34 = tpu.memref_slice %arg5[%add3A, %add3A_22, %dma_start3A, %dma_start3A_33] : memref<32x5x125x16xi32, #tpu.memory_space<hbm>> -> memref<1x1x125x16xi32, #tpu.memory_space<hbm>>
        %dma_start3A_35 = tpu.memref_squeeze %dma_start3A_34 : memref<1x1x125x16xi32, #tpu.memory_space<hbm>> -> memref<125x16xi32, #tpu.memory_space<hbm>>
        %dma_start3A_36 = arith.constant 0 : i32
        %dma_start3A_37 = arith.constant 0 : i32
        %dma_start3A_38 = tpu.memref_slice %arg5[%add3A, %add3A_22, %dma_start3A_36, %dma_start3A_37] : memref<32x5x125x16xi32, #tpu.memory_space<hbm>> -> memref<1x1x125x16xi32, #tpu.memory_space<hbm>>
        %dma_start3A_39 = tpu.memref_squeeze %dma_start3A_38 : memref<1x1x125x16xi32, #tpu.memory_space<hbm>> -> memref<125x16xi32, #tpu.memory_space<hbm>>
        tpu.enqueue_dma source(%dma_start3A_39 : memref<125x16xi32, #tpu.memory_space<hbm>>) target(%arg12 : memref<125x16xi32, #tpu.memory_space<vmem>>) target_semaphore(%run_scoped3A : memref<!tpu.dma_semaphore, #tpu.memory_space<semaphore_mem>>)
        %dma_wait3A = arith.constant 0 : i32
        %dma_wait3A_40 = arith.constant 0 : i32
        %dma_wait3A_41 = tpu.memref_slice %arg5[%add3A, %add3A_22, %dma_wait3A, %dma_wait3A_40] : memref<32x5x125x16xi32, #tpu.memory_space<hbm>> -> memref<1x1x125x16xi32, #tpu.memory_space<hbm>>
        %dma_wait3A_42 = tpu.memref_squeeze %dma_wait3A_41 : memref<1x1x125x16xi32, #tpu.memory_space<hbm>> -> memref<125x16xi32, #tpu.memory_space<hbm>>
        %dma_wait3A_43 = arith.constant 0 : i32
        %dma_wait3A_44 = arith.constant 0 : i32
        %dma_wait3A_45 = tpu.memref_slice %arg5[%add3A, %add3A_22, %dma_wait3A_43, %dma_wait3A_44] : memref<32x5x125x16xi32, #tpu.memory_space<hbm>> -> memref<1x1x125x16xi32, #tpu.memory_space<hbm>>
        %dma_wait3A_46 = tpu.memref_squeeze %dma_wait3A_45 : memref<1x1x125x16xi32, #tpu.memory_space<hbm>> -> memref<125x16xi32, #tpu.memory_space<hbm>>
        tpu.wait_dma2 semaphore(%run_scoped3A : memref<!tpu.dma_semaphore, #tpu.memory_space<semaphore_mem>>) src(%dma_wait3A_46 : memref<125x16xi32, #tpu.memory_space<hbm>>) dst(%arg12 : memref<125x16xi32, #tpu.memory_space<vmem>>)
        tpu.yield
      }) : () -> ()
      %scan3A_23 = arith.constant 0 : i32
      %scan3A_24 = arith.constant 25 : i32
      %scan3A_25 = arith.addi %scan3A_23, %scan3A_24 : i32
      %scan3A_26 = arith.constant 1 : i32
      scf.for %scan3A_33 = %scan3A_23 to %scan3A_25 step %scan3A_26  : i32 {
        %mul3A_34 = arith.constant 1 : i32
        %mul3A_35 = arith.muli %scan3A_33, %mul3A_34 : i32
        %add3A_36 = arith.constant 0 : i32
        %add3A_37 = arith.addi %add3A_36, %mul3A_35 : i32
        %dma_start3A = arith.constant 0 : i32
        %dma_start3A_38 = tpu.memref_slice %arg10[%add3A_37, %dma_start3A] : memref<25x80xi32, #tpu.memory_space<vmem>> -> memref<1x80xi32, #tpu.memory_space<vmem>>
        %dma_start3A_39 = tpu.memref_squeeze %dma_start3A_38 : memref<1x80xi32, #tpu.memory_space<vmem>> -> memref<80xi32, #tpu.memory_space<vmem>>
        %dma_start3A_40 = arith.constant 0 : i32
        %dma_start3A_41 = arith.constant 0 : i32
        %dma_start3A_42 = tpu.memref_slice %arg2[%dma_start3A_40, %dma_start3A_41] : memref<10000x128xf32, #tpu.memory_space<hbm>> -> memref<10000x128xf32, #tpu.memory_space<hbm>>
        tpu.enqueue_indirect_dma source(%dma_start3A_42 : memref<10000x128xf32, #tpu.memory_space<hbm>>) target(%arg13 : memref<80x128xf32, #tpu.memory_space<vmem>>) offsets(%dma_start3A_39 : memref<80xi32, #tpu.memory_space<vmem>>) semaphore(%arg16 : memref<!tpu.dma_semaphore, #tpu.memory_space<semaphore_mem>>)
        %dma_wait3A = arith.constant 0 : i32
        %dma_wait3A_43 = tpu.memref_slice %arg10[%add3A_37, %dma_wait3A] : memref<25x80xi32, #tpu.memory_space<vmem>> -> memref<1x80xi32, #tpu.memory_space<vmem>>
        %dma_wait3A_44 = tpu.memref_squeeze %dma_wait3A_43 : memref<1x80xi32, #tpu.memory_space<vmem>> -> memref<80xi32, #tpu.memory_space<vmem>>
        %dma_wait3A_45 = arith.constant 0 : i32
        %dma_wait3A_46 = arith.constant 0 : i32
        %dma_wait3A_47 = tpu.memref_slice %arg2[%dma_wait3A_45, %dma_wait3A_46] : memref<10000x128xf32, #tpu.memory_space<hbm>> -> memref<10000x128xf32, #tpu.memory_space<hbm>>
        tpu.wait_indirect_dma semaphore(%arg16 : memref<!tpu.dma_semaphore, #tpu.memory_space<semaphore_mem>>) src(%dma_wait3A_47 : memref<10000x128xf32, #tpu.memory_space<hbm>>) dst(%arg13 : memref<80x128xf32, #tpu.memory_space<vmem>>)
        "tpu.region"() ({
          %run_scoped3A = tpu.sem_alloc : memref<!tpu.dma_semaphore, #tpu.memory_space<semaphore_mem>>
          %dma_start3A_48 = arith.constant 0 : i32
          %dma_start3A_49 = tpu.memref_slice %arg11[%add3A_37, %dma_start3A_48] : memref<25x80xi32, #tpu.memory_space<vmem>> -> memref<1x80xi32, #tpu.memory_space<vmem>>
          %dma_start3A_50 = tpu.memref_squeeze %dma_start3A_49 : memref<1x80xi32, #tpu.memory_space<vmem>> -> memref<80xi32, #tpu.memory_space<vmem>>
          %dma_start3A_51 = arith.constant 0 : i32
          %dma_start3A_52 = arith.constant 0 : i32
          %dma_start3A_53 = tpu.memref_slice %arg15[%dma_start3A_51, %dma_start3A_52] : memref<10240x128xf32, #tpu.memory_space<vmem_shared>> -> memref<10240x128xf32, #tpu.memory_space<vmem_shared>>
          tpu.enqueue_indirect_dma source(%arg13 : memref<80x128xf32, #tpu.memory_space<vmem>>) target(%dma_start3A_53 : memref<10240x128xf32, #tpu.memory_space<vmem_shared>>) offsets(%dma_start3A_50 : memref<80xi32, #tpu.memory_space<vmem>>) semaphore(%run_scoped3A : memref<!tpu.dma_semaphore, #tpu.memory_space<semaphore_mem>>) {add = true}
          %dma_wait3A_54 = arith.constant 0 : i32
          %dma_wait3A_55 = tpu.memref_slice %arg11[%add3A_37, %dma_wait3A_54] : memref<25x80xi32, #tpu.memory_space<vmem>> -> memref<1x80xi32, #tpu.memory_space<vmem>>
          %dma_wait3A_56 = tpu.memref_squeeze %dma_wait3A_55 : memref<1x80xi32, #tpu.memory_space<vmem>> -> memref<80xi32, #tpu.memory_space<vmem>>
          %dma_wait3A_57 = arith.constant 0 : i32
          %dma_wait3A_58 = arith.constant 0 : i32
          %dma_wait3A_59 = tpu.memref_slice %arg15[%dma_wait3A_57, %dma_wait3A_58] : memref<10240x128xf32, #tpu.memory_space<vmem_shared>> -> memref<10240x128xf32, #tpu.memory_space<vmem_shared>>
          tpu.wait_indirect_dma semaphore(%run_scoped3A : memref<!tpu.dma_semaphore, #tpu.memory_space<semaphore_mem>>) src(%arg13 : memref<80x128xf32, #tpu.memory_space<vmem>>) dst(%dma_wait3A_59 : memref<10240x128xf32, #tpu.memory_space<vmem_shared>>)
          tpu.yield
        }) : () -> ()
      }
      %scan3A_27 = arith.constant 25 : i32
      %scan3A_28 = arith.constant 0 : i32
      %scan3A_29 = arith.constant 125 : i32
      %scan3A_30 = arith.addi %scan3A_28, %scan3A_29 : i32
      %scan3A_31 = arith.constant 1 : i32
      scf.for %scan3A_33 = %scan3A_28 to %scan3A_30 step %scan3A_31  : i32 {
        %mul3A_34 = arith.constant 1 : i32
        %mul3A_35 = arith.muli %scan3A_33, %mul3A_34 : i32
        %add3A_36 = arith.constant 0 : i32
        %add3A_37 = arith.addi %add3A_36, %mul3A_35 : i32
        %get3A = arith.index_cast %add3A_37 : i32 to index
        %get3A_38 = arith.constant 0 : index
        %get3A_39 = tpu.vector_load %arg12[%get3A, %get3A_38] {strides = array<i32>} : memref<125x16xi32, #tpu.memory_space<vmem>>, vector<16xi32>,
        %broadcast_in_dim3A = arith.constant true
        %broadcast_in_dim3A_40 = vector.broadcast %broadcast_in_dim3A : i1 to vector<16xi1>
        %unique3A, %unique3A_41 = tpu.scan_count mask(%broadcast_in_dim3A_40 : vector<16xi1>) value(%get3A_39 : vector<16xi32>) : vector<16xi1>, vector<16xi32>
        %convert_element_type3A = arith.sitofp %unique3A_41 : vector<16xi32> to vector<16xf32>
        tpu.vector_store_idx %arg14[%get3A_39], %convert_element_type3A masked %unique3A {add = true} : memref<10240xf32, #tpu.memory_space<vmem>>[vector<16xi32>], vector<16xf32>, vector<16xi1>
      }
      %scan3A_32 = arith.constant 125 : i32
    }
    %scan3A_11 = arith.constant 5 : i32
    %barrier3A_12 = arith.constant 0 : index
    tpu.barrier barrier_id(%barrier3A_12)
    "tpu.region"() ({
      %run_scoped3A = tpu.sem_alloc : memref<!tpu.dma_semaphore, #tpu.memory_space<semaphore_mem>>
      %dma_start3A = arith.constant 0 : i32
      %dma_start3A_18 = tpu.memref_slice %arg9[%arg0, %arg1, %dma_start3A] : memref<2x16x10240xf32, #tpu.memory_space<hbm>> -> memref<1x1x10240xf32, #tpu.memory_space<hbm>>
      %dma_start3A_19 = tpu.memref_squeeze %dma_start3A_18 : memref<1x1x10240xf32, #tpu.memory_space<hbm>> -> memref<10240xf32, #tpu.memory_space<hbm>>
      %dma_start3A_20 = arith.constant 0 : i32
      %dma_start3A_21 = tpu.memref_slice %arg9[%arg0, %arg1, %dma_start3A_20] : memref<2x16x10240xf32, #tpu.memory_space<hbm>> -> memref<1x1x10240xf32, #tpu.memory_space<hbm>>
      %dma_start3A_22 = tpu.memref_squeeze %dma_start3A_21 : memref<1x1x10240xf32, #tpu.memory_space<hbm>> -> memref<10240xf32, #tpu.memory_space<hbm>>
      tpu.enqueue_dma source(%arg14 : memref<10240xf32, #tpu.memory_space<vmem>>) target(%dma_start3A_22 : memref<10240xf32, #tpu.memory_space<hbm>>) target_semaphore(%run_scoped3A : memref<!tpu.dma_semaphore, #tpu.memory_space<semaphore_mem>>)
      %dma_wait3A = arith.constant 0 : i32
      %dma_wait3A_23 = tpu.memref_slice %arg9[%arg0, %arg1, %dma_wait3A] : memref<2x16x10240xf32, #tpu.memory_space<hbm>> -> memref<1x1x10240xf32, #tpu.memory_space<hbm>>
      %dma_wait3A_24 = tpu.memref_squeeze %dma_wait3A_23 : memref<1x1x10240xf32, #tpu.memory_space<hbm>> -> memref<10240xf32, #tpu.memory_space<hbm>>
      %dma_wait3A_25 = arith.constant 0 : i32
      %dma_wait3A_26 = tpu.memref_slice %arg9[%arg0, %arg1, %dma_wait3A_25] : memref<2x16x10240xf32, #tpu.memory_space<hbm>> -> memref<1x1x10240xf32, #tpu.memory_space<hbm>>
      %dma_wait3A_27 = tpu.memref_squeeze %dma_wait3A_26 : memref<1x1x10240xf32, #tpu.memory_space<hbm>> -> memref<10240xf32, #tpu.memory_space<hbm>>
      tpu.wait_dma2 semaphore(%run_scoped3A : memref<!tpu.dma_semaphore, #tpu.memory_space<semaphore_mem>>) src(%arg14 : memref<10240xf32, #tpu.memory_space<vmem>>) dst(%dma_wait3A_27 : memref<10240xf32, #tpu.memory_space<hbm>>)
      tpu.yield
    }) : () -> ()
    %scan3A_13 = arith.constant 0 : i32
    %scan3A_14 = arith.constant 8 : i32
    %scan3A_15 = arith.addi %scan3A_13, %scan3A_14 : i32
    %scan3A_16 = arith.constant 1 : i32
    scf.for %scan3A_18 = %scan3A_13 to %scan3A_15 step %scan3A_16  : i32 {
      %mul3A_19 = arith.constant 1 : i32
      %mul3A_20 = arith.muli %scan3A_18, %mul3A_19 : i32
      %add3A_21 = arith.constant 0 : i32
      %add3A_22 = arith.addi %add3A_21, %mul3A_20 : i32
      %mul3A_23 = arith.constant 80 : i32
      %mul3A_24 = arith.muli %add3A_22, %mul3A_23 : i32
      %add3A_25 = arith.addi %mul3A_2, %mul3A_24 : i32
      "tpu.region"() ({
        %run_scoped3A = tpu.sem_alloc : memref<!tpu.dma_semaphore, #tpu.memory_space<semaphore_mem>>
        %dma_start3A = arith.constant 0 : i32
        %dma_start3A_26 = tpu.memref_slice %arg15[%add3A_25, %dma_start3A] : memref<10240x128xf32, #tpu.memory_space<vmem_shared>> -> memref<80x128xf32, #tpu.memory_space<vmem_shared>>
        %dma_start3A_27 = arith.constant 0 : i32
        %dma_start3A_28 = tpu.memref_slice %arg15[%add3A_25, %dma_start3A_27] : memref<10240x128xf32, #tpu.memory_space<vmem_shared>> -> memref<80x128xf32, #tpu.memory_space<vmem_shared>>
        tpu.enqueue_dma source(%dma_start3A_28 : memref<80x128xf32, #tpu.memory_space<vmem_shared>>) target(%arg13 : memref<80x128xf32, #tpu.memory_space<vmem>>) target_semaphore(%run_scoped3A : memref<!tpu.dma_semaphore, #tpu.memory_space<semaphore_mem>>)
        %dma_wait3A = arith.constant 0 : i32
        %dma_wait3A_29 = tpu.memref_slice %arg15[%add3A_25, %dma_wait3A] : memref<10240x128xf32, #tpu.memory_space<vmem_shared>> -> memref<80x128xf32, #tpu.memory_space<vmem_shared>>
        %dma_wait3A_30 = arith.constant 0 : i32
        %dma_wait3A_31 = tpu.memref_slice %arg15[%add3A_25, %dma_wait3A_30] : memref<10240x128xf32, #tpu.memory_space<vmem_shared>> -> memref<80x128xf32, #tpu.memory_space<vmem_shared>>
        tpu.wait_dma2 semaphore(%run_scoped3A : memref<!tpu.dma_semaphore, #tpu.memory_space<semaphore_mem>>) src(%dma_wait3A_31 : memref<80x128xf32, #tpu.memory_space<vmem_shared>>) dst(%arg13 : memref<80x128xf32, #tpu.memory_space<vmem>>)
        tpu.yield
      }) : () -> ()
      "tpu.region"() ({
        %run_scoped3A = tpu.sem_alloc : memref<!tpu.dma_semaphore, #tpu.memory_space<semaphore_mem>>
        %dma_start3A = arith.constant 0 : i32
        %dma_start3A_26 = tpu.memref_slice %arg8[%arg0, %add3A_25, %dma_start3A] : memref<2x10240x128xf32, #tpu.memory_space<hbm>> -> memref<1x80x128xf32, #tpu.memory_space<hbm>>
        %dma_start3A_27 = tpu.memref_squeeze %dma_start3A_26 : memref<1x80x128xf32, #tpu.memory_space<hbm>> -> memref<80x128xf32, #tpu.memory_space<hbm>>
        %dma_start3A_28 = arith.constant 0 : i32
        %dma_start3A_29 = tpu.memref_slice %arg8[%arg0, %add3A_25, %dma_start3A_28] : memref<2x10240x128xf32, #tpu.memory_space<hbm>> -> memref<1x80x128xf32, #tpu.memory_space<hbm>>
        %dma_start3A_30 = tpu.memref_squeeze %dma_start3A_29 : memref<1x80x128xf32, #tpu.memory_space<hbm>> -> memref<80x128xf32, #tpu.memory_space<hbm>>
        tpu.enqueue_dma source(%arg13 : memref<80x128xf32, #tpu.memory_space<vmem>>) target(%dma_start3A_30 : memref<80x128xf32, #tpu.memory_space<hbm>>) target_semaphore(%run_scoped3A : memref<!tpu.dma_semaphore, #tpu.memory_space<semaphore_mem>>)
        %dma_wait3A = arith.constant 0 : i32
        %dma_wait3A_31 = tpu.memref_slice %arg8[%arg0, %add3A_25, %dma_wait3A] : memref<2x10240x128xf32, #tpu.memory_space<hbm>> -> memref<1x80x128xf32, #tpu.memory_space<hbm>>
        %dma_wait3A_32 = tpu.memref_squeeze %dma_wait3A_31 : memref<1x80x128xf32, #tpu.memory_space<hbm>> -> memref<80x128xf32, #tpu.memory_space<hbm>>
        %dma_wait3A_33 = arith.constant 0 : i32
        %dma_wait3A_34 = tpu.memref_slice %arg8[%arg0, %add3A_25, %dma_wait3A_33] : memref<2x10240x128xf32, #tpu.memory_space<hbm>> -> memref<1x80x128xf32, #tpu.memory_space<hbm>>
        %dma_wait3A_35 = tpu.memref_squeeze %dma_wait3A_34 : memref<1x80x128xf32, #tpu.memory_space<hbm>> -> memref<80x128xf32, #tpu.memory_space<hbm>>
        tpu.wait_dma2 semaphore(%run_scoped3A : memref<!tpu.dma_semaphore, #tpu.memory_space<semaphore_mem>>) src(%arg13 : memref<80x128xf32, #tpu.memory_space<vmem>>) dst(%dma_wait3A_35 : memref<80x128xf32, #tpu.memory_space<hbm>>)
        tpu.yield
      }) : () -> ()
    }
    %scan3A_17 = arith.constant 8 : i32
    return
  }
}

module attributes {stable_mosaic.version = 14 : i64} {
  func.func @body(%arg0: i32, %arg1: memref<2x2560x128xf32, #tpu.memory_space<vmem>>, %arg2: memref<32x80x128xf32, #tpu.memory_space<vmem>>, %arg3: memref<128x128xf32, #tpu.memory_space<vmem>>, %arg4: memref<1x128xf32, #tpu.memory_space<vmem>>, %arg5: memref<2560x128xf32, #tpu.memory_space<vmem>>) attributes {dimension_semantics = [#tpu.dimension_semantics<arbitrary>], iteration_bounds = array<i64: 4>, scalar_prefetch = 0 : i64, scratch_operands = 0 : i64, tpu.core_type = #tpu.core_type<tc>, window_params = [{transform_indices = @transform_0, window_bounds = array<i64: 2, 2560, 128>}, {pipeline_mode = #tpu.pipeline_mode<synchronous>, transform_indices = @transform_1, window_bounds = array<i64: 32, 80, 128>}, {pipeline_mode = #tpu.pipeline_mode<synchronous>, transform_indices = @transform_2, window_bounds = array<i64: 128, 128>}, {pipeline_mode = #tpu.pipeline_mode<synchronous>, transform_indices = @transform_3, window_bounds = array<i64: 1, 128>}, {transform_indices = @transform_4, window_bounds = array<i64: 2560, 128>}]} {
    %get3A = arith.constant 0 : index
    %get3A_0 = arith.constant 0 : index
    %get3A_1 = arith.constant 0 : index
    %get3A_2 = vector.load %arg1[%get3A, %get3A_0, %get3A_1] : memref<2x2560x128xf32, #tpu.memory_space<vmem>>, vector<1x2560x128xf32>
    %get3A_3 = vector.shape_cast %get3A_2 : vector<1x2560x128xf32> to vector<2560x128xf32>
    %get3A_4 = arith.constant 1 : index
    %get3A_5 = arith.constant 0 : index
    %get3A_6 = arith.constant 0 : index
    %get3A_7 = vector.load %arg1[%get3A_4, %get3A_5, %get3A_6] : memref<2x2560x128xf32, #tpu.memory_space<vmem>>, vector<1x2560x128xf32>
    %get3A_8 = vector.shape_cast %get3A_7 : vector<1x2560x128xf32> to vector<2560x128xf32>
    %add3A = arith.addf %get3A_3, %get3A_8 : vector<2560x128xf32>
    %mul3A = arith.constant 20 : i32
    %mul3A_9 = arith.muli %arg0, %mul3A : i32
    %get3A_10 = arith.constant 0 : index
    %get3A_11 = arith.index_cast %mul3A_9 : i32 to index
    %get3A_12 = arith.constant 0 : index
    %get3A_13 = vector.load %arg2[%get3A_10, %get3A_11, %get3A_12] : memref<32x80x128xf32, #tpu.memory_space<vmem>>, vector<1x20x128xf32>
    %get3A_14 = vector.shape_cast %get3A_13 : vector<1x20x128xf32> to vector<20x128xf32>
    %mul3A_15 = arith.constant 20 : i32
    %mul3A_16 = arith.muli %arg0, %mul3A_15 : i32
    %get3A_17 = arith.constant 1 : index
    %get3A_18 = arith.index_cast %mul3A_16 : i32 to index
    %get3A_19 = arith.constant 0 : index
    %get3A_20 = vector.load %arg2[%get3A_17, %get3A_18, %get3A_19] : memref<32x80x128xf32, #tpu.memory_space<vmem>>, vector<1x20x128xf32>
    %get3A_21 = vector.shape_cast %get3A_20 : vector<1x20x128xf32> to vector<20x128xf32>
    %add3A_22 = arith.addf %get3A_14, %get3A_21 : vector<20x128xf32>
    %mul3A_23 = arith.constant 20 : i32
    %mul3A_24 = arith.muli %arg0, %mul3A_23 : i32
    %get3A_25 = arith.constant 2 : index
    %get3A_26 = arith.index_cast %mul3A_24 : i32 to index
    %get3A_27 = arith.constant 0 : index
    %get3A_28 = vector.load %arg2[%get3A_25, %get3A_26, %get3A_27] : memref<32x80x128xf32, #tpu.memory_space<vmem>>, vector<1x20x128xf32>
    %get3A_29 = vector.shape_cast %get3A_28 : vector<1x20x128xf32> to vector<20x128xf32>
    %add3A_30 = arith.addf %add3A_22, %get3A_29 : vector<20x128xf32>
    %mul3A_31 = arith.constant 20 : i32
    %mul3A_32 = arith.muli %arg0, %mul3A_31 : i32
    %get3A_33 = arith.constant 3 : index
    %get3A_34 = arith.index_cast %mul3A_32 : i32 to index
    %get3A_35 = arith.constant 0 : index
    %get3A_36 = vector.load %arg2[%get3A_33, %get3A_34, %get3A_35] : memref<32x80x128xf32, #tpu.memory_space<vmem>>, vector<1x20x128xf32>
    %get3A_37 = vector.shape_cast %get3A_36 : vector<1x20x128xf32> to vector<20x128xf32>
    %add3A_38 = arith.addf %add3A_30, %get3A_37 : vector<20x128xf32>
    %mul3A_39 = arith.constant 20 : i32
    %mul3A_40 = arith.muli %arg0, %mul3A_39 : i32
    %get3A_41 = arith.constant 4 : index
    %get3A_42 = arith.index_cast %mul3A_40 : i32 to index
    %get3A_43 = arith.constant 0 : index
    %get3A_44 = vector.load %arg2[%get3A_41, %get3A_42, %get3A_43] : memref<32x80x128xf32, #tpu.memory_space<vmem>>, vector<1x20x128xf32>
    %get3A_45 = vector.shape_cast %get3A_44 : vector<1x20x128xf32> to vector<20x128xf32>
    %add3A_46 = arith.addf %add3A_38, %get3A_45 : vector<20x128xf32>
    %mul3A_47 = arith.constant 20 : i32
    %mul3A_48 = arith.muli %arg0, %mul3A_47 : i32
    %get3A_49 = arith.constant 5 : index
    %get3A_50 = arith.index_cast %mul3A_48 : i32 to index
    %get3A_51 = arith.constant 0 : index
    %get3A_52 = vector.load %arg2[%get3A_49, %get3A_50, %get3A_51] : memref<32x80x128xf32, #tpu.memory_space<vmem>>, vector<1x20x128xf32>
    %get3A_53 = vector.shape_cast %get3A_52 : vector<1x20x128xf32> to vector<20x128xf32>
    %add3A_54 = arith.addf %add3A_46, %get3A_53 : vector<20x128xf32>
    %mul3A_55 = arith.constant 20 : i32
    %mul3A_56 = arith.muli %arg0, %mul3A_55 : i32
    %get3A_57 = arith.constant 6 : index
    %get3A_58 = arith.index_cast %mul3A_56 : i32 to index
    %get3A_59 = arith.constant 0 : index
    %get3A_60 = vector.load %arg2[%get3A_57, %get3A_58, %get3A_59] : memref<32x80x128xf32, #tpu.memory_space<vmem>>, vector<1x20x128xf32>
    %get3A_61 = vector.shape_cast %get3A_60 : vector<1x20x128xf32> to vector<20x128xf32>
    %add3A_62 = arith.addf %add3A_54, %get3A_61 : vector<20x128xf32>
    %mul3A_63 = arith.constant 20 : i32
    %mul3A_64 = arith.muli %arg0, %mul3A_63 : i32
    %get3A_65 = arith.constant 7 : index
    %get3A_66 = arith.index_cast %mul3A_64 : i32 to index
    %get3A_67 = arith.constant 0 : index
    %get3A_68 = vector.load %arg2[%get3A_65, %get3A_66, %get3A_67] : memref<32x80x128xf32, #tpu.memory_space<vmem>>, vector<1x20x128xf32>
    %get3A_69 = vector.shape_cast %get3A_68 : vector<1x20x128xf32> to vector<20x128xf32>
    %add3A_70 = arith.addf %add3A_62, %get3A_69 : vector<20x128xf32>
    %mul3A_71 = arith.constant 20 : i32
    %mul3A_72 = arith.muli %arg0, %mul3A_71 : i32
    %get3A_73 = arith.constant 8 : index
    %get3A_74 = arith.index_cast %mul3A_72 : i32 to index
    %get3A_75 = arith.constant 0 : index
    %get3A_76 = vector.load %arg2[%get3A_73, %get3A_74, %get3A_75] : memref<32x80x128xf32, #tpu.memory_space<vmem>>, vector<1x20x128xf32>
    %get3A_77 = vector.shape_cast %get3A_76 : vector<1x20x128xf32> to vector<20x128xf32>
    %add3A_78 = arith.addf %add3A_70, %get3A_77 : vector<20x128xf32>
    %mul3A_79 = arith.constant 20 : i32
    %mul3A_80 = arith.muli %arg0, %mul3A_79 : i32
    %get3A_81 = arith.constant 9 : index
    %get3A_82 = arith.index_cast %mul3A_80 : i32 to index
    %get3A_83 = arith.constant 0 : index
    %get3A_84 = vector.load %arg2[%get3A_81, %get3A_82, %get3A_83] : memref<32x80x128xf32, #tpu.memory_space<vmem>>, vector<1x20x128xf32>
    %get3A_85 = vector.shape_cast %get3A_84 : vector<1x20x128xf32> to vector<20x128xf32>
    %add3A_86 = arith.addf %add3A_78, %get3A_85 : vector<20x128xf32>
    %mul3A_87 = arith.constant 20 : i32
    %mul3A_88 = arith.muli %arg0, %mul3A_87 : i32
    %get3A_89 = arith.constant 10 : index
    %get3A_90 = arith.index_cast %mul3A_88 : i32 to index
    %get3A_91 = arith.constant 0 : index
    %get3A_92 = vector.load %arg2[%get3A_89, %get3A_90, %get3A_91] : memref<32x80x128xf32, #tpu.memory_space<vmem>>, vector<1x20x128xf32>
    %get3A_93 = vector.shape_cast %get3A_92 : vector<1x20x128xf32> to vector<20x128xf32>
    %add3A_94 = arith.addf %add3A_86, %get3A_93 : vector<20x128xf32>
    %mul3A_95 = arith.constant 20 : i32
    %mul3A_96 = arith.muli %arg0, %mul3A_95 : i32
    %get3A_97 = arith.constant 11 : index
    %get3A_98 = arith.index_cast %mul3A_96 : i32 to index
    %get3A_99 = arith.constant 0 : index
    %get3A_100 = vector.load %arg2[%get3A_97, %get3A_98, %get3A_99] : memref<32x80x128xf32, #tpu.memory_space<vmem>>, vector<1x20x128xf32>
    %get3A_101 = vector.shape_cast %get3A_100 : vector<1x20x128xf32> to vector<20x128xf32>
    %add3A_102 = arith.addf %add3A_94, %get3A_101 : vector<20x128xf32>
    %mul3A_103 = arith.constant 20 : i32
    %mul3A_104 = arith.muli %arg0, %mul3A_103 : i32
    %get3A_105 = arith.constant 12 : index
    %get3A_106 = arith.index_cast %mul3A_104 : i32 to index
    %get3A_107 = arith.constant 0 : index
    %get3A_108 = vector.load %arg2[%get3A_105, %get3A_106, %get3A_107] : memref<32x80x128xf32, #tpu.memory_space<vmem>>, vector<1x20x128xf32>
    %get3A_109 = vector.shape_cast %get3A_108 : vector<1x20x128xf32> to vector<20x128xf32>
    %add3A_110 = arith.addf %add3A_102, %get3A_109 : vector<20x128xf32>
    %mul3A_111 = arith.constant 20 : i32
    %mul3A_112 = arith.muli %arg0, %mul3A_111 : i32
    %get3A_113 = arith.constant 13 : index
    %get3A_114 = arith.index_cast %mul3A_112 : i32 to index
    %get3A_115 = arith.constant 0 : index
    %get3A_116 = vector.load %arg2[%get3A_113, %get3A_114, %get3A_115] : memref<32x80x128xf32, #tpu.memory_space<vmem>>, vector<1x20x128xf32>
    %get3A_117 = vector.shape_cast %get3A_116 : vector<1x20x128xf32> to vector<20x128xf32>
    %add3A_118 = arith.addf %add3A_110, %get3A_117 : vector<20x128xf32>
    %mul3A_119 = arith.constant 20 : i32
    %mul3A_120 = arith.muli %arg0, %mul3A_119 : i32
    %get3A_121 = arith.constant 14 : index
    %get3A_122 = arith.index_cast %mul3A_120 : i32 to index
    %get3A_123 = arith.constant 0 : index
    %get3A_124 = vector.load %arg2[%get3A_121, %get3A_122, %get3A_123] : memref<32x80x128xf32, #tpu.memory_space<vmem>>, vector<1x20x128xf32>
    %get3A_125 = vector.shape_cast %get3A_124 : vector<1x20x128xf32> to vector<20x128xf32>
    %add3A_126 = arith.addf %add3A_118, %get3A_125 : vector<20x128xf32>
    %mul3A_127 = arith.constant 20 : i32
    %mul3A_128 = arith.muli %arg0, %mul3A_127 : i32
    %get3A_129 = arith.constant 15 : index
    %get3A_130 = arith.index_cast %mul3A_128 : i32 to index
    %get3A_131 = arith.constant 0 : index
    %get3A_132 = vector.load %arg2[%get3A_129, %get3A_130, %get3A_131] : memref<32x80x128xf32, #tpu.memory_space<vmem>>, vector<1x20x128xf32>
    %get3A_133 = vector.shape_cast %get3A_132 : vector<1x20x128xf32> to vector<20x128xf32>
    %add3A_134 = arith.addf %add3A_126, %get3A_133 : vector<20x128xf32>
    %mul3A_135 = arith.constant 20 : i32
    %mul3A_136 = arith.muli %arg0, %mul3A_135 : i32
    %get3A_137 = arith.constant 16 : index
    %get3A_138 = arith.index_cast %mul3A_136 : i32 to index
    %get3A_139 = arith.constant 0 : index
    %get3A_140 = vector.load %arg2[%get3A_137, %get3A_138, %get3A_139] : memref<32x80x128xf32, #tpu.memory_space<vmem>>, vector<1x20x128xf32>
    %get3A_141 = vector.shape_cast %get3A_140 : vector<1x20x128xf32> to vector<20x128xf32>
    %add3A_142 = arith.addf %add3A_134, %get3A_141 : vector<20x128xf32>
    %mul3A_143 = arith.constant 20 : i32
    %mul3A_144 = arith.muli %arg0, %mul3A_143 : i32
    %get3A_145 = arith.constant 17 : index
    %get3A_146 = arith.index_cast %mul3A_144 : i32 to index
    %get3A_147 = arith.constant 0 : index
    %get3A_148 = vector.load %arg2[%get3A_145, %get3A_146, %get3A_147] : memref<32x80x128xf32, #tpu.memory_space<vmem>>, vector<1x20x128xf32>
    %get3A_149 = vector.shape_cast %get3A_148 : vector<1x20x128xf32> to vector<20x128xf32>
    %add3A_150 = arith.addf %add3A_142, %get3A_149 : vector<20x128xf32>
    %mul3A_151 = arith.constant 20 : i32
    %mul3A_152 = arith.muli %arg0, %mul3A_151 : i32
    %get3A_153 = arith.constant 18 : index
    %get3A_154 = arith.index_cast %mul3A_152 : i32 to index
    %get3A_155 = arith.constant 0 : index
    %get3A_156 = vector.load %arg2[%get3A_153, %get3A_154, %get3A_155] : memref<32x80x128xf32, #tpu.memory_space<vmem>>, vector<1x20x128xf32>
    %get3A_157 = vector.shape_cast %get3A_156 : vector<1x20x128xf32> to vector<20x128xf32>
    %add3A_158 = arith.addf %add3A_150, %get3A_157 : vector<20x128xf32>
    %mul3A_159 = arith.constant 20 : i32
    %mul3A_160 = arith.muli %arg0, %mul3A_159 : i32
    %get3A_161 = arith.constant 19 : index
    %get3A_162 = arith.index_cast %mul3A_160 : i32 to index
    %get3A_163 = arith.constant 0 : index
    %get3A_164 = vector.load %arg2[%get3A_161, %get3A_162, %get3A_163] : memref<32x80x128xf32, #tpu.memory_space<vmem>>, vector<1x20x128xf32>
    %get3A_165 = vector.shape_cast %get3A_164 : vector<1x20x128xf32> to vector<20x128xf32>
    %add3A_166 = arith.addf %add3A_158, %get3A_165 : vector<20x128xf32>
    %mul3A_167 = arith.constant 20 : i32
    %mul3A_168 = arith.muli %arg0, %mul3A_167 : i32
    %get3A_169 = arith.constant 20 : index
    %get3A_170 = arith.index_cast %mul3A_168 : i32 to index
    %get3A_171 = arith.constant 0 : index
    %get3A_172 = vector.load %arg2[%get3A_169, %get3A_170, %get3A_171] : memref<32x80x128xf32, #tpu.memory_space<vmem>>, vector<1x20x128xf32>
    %get3A_173 = vector.shape_cast %get3A_172 : vector<1x20x128xf32> to vector<20x128xf32>
    %add3A_174 = arith.addf %add3A_166, %get3A_173 : vector<20x128xf32>
    %mul3A_175 = arith.constant 20 : i32
    %mul3A_176 = arith.muli %arg0, %mul3A_175 : i32
    %get3A_177 = arith.constant 21 : index
    %get3A_178 = arith.index_cast %mul3A_176 : i32 to index
    %get3A_179 = arith.constant 0 : index
    %get3A_180 = vector.load %arg2[%get3A_177, %get3A_178, %get3A_179] : memref<32x80x128xf32, #tpu.memory_space<vmem>>, vector<1x20x128xf32>
    %get3A_181 = vector.shape_cast %get3A_180 : vector<1x20x128xf32> to vector<20x128xf32>
    %add3A_182 = arith.addf %add3A_174, %get3A_181 : vector<20x128xf32>
    %mul3A_183 = arith.constant 20 : i32
    %mul3A_184 = arith.muli %arg0, %mul3A_183 : i32
    %get3A_185 = arith.constant 22 : index
    %get3A_186 = arith.index_cast %mul3A_184 : i32 to index
    %get3A_187 = arith.constant 0 : index
    %get3A_188 = vector.load %arg2[%get3A_185, %get3A_186, %get3A_187] : memref<32x80x128xf32, #tpu.memory_space<vmem>>, vector<1x20x128xf32>
    %get3A_189 = vector.shape_cast %get3A_188 : vector<1x20x128xf32> to vector<20x128xf32>
    %add3A_190 = arith.addf %add3A_182, %get3A_189 : vector<20x128xf32>
    %mul3A_191 = arith.constant 20 : i32
    %mul3A_192 = arith.muli %arg0, %mul3A_191 : i32
    %get3A_193 = arith.constant 23 : index
    %get3A_194 = arith.index_cast %mul3A_192 : i32 to index
    %get3A_195 = arith.constant 0 : index
    %get3A_196 = vector.load %arg2[%get3A_193, %get3A_194, %get3A_195] : memref<32x80x128xf32, #tpu.memory_space<vmem>>, vector<1x20x128xf32>
    %get3A_197 = vector.shape_cast %get3A_196 : vector<1x20x128xf32> to vector<20x128xf32>
    %add3A_198 = arith.addf %add3A_190, %get3A_197 : vector<20x128xf32>
    %mul3A_199 = arith.constant 20 : i32
    %mul3A_200 = arith.muli %arg0, %mul3A_199 : i32
    %get3A_201 = arith.constant 24 : index
    %get3A_202 = arith.index_cast %mul3A_200 : i32 to index
    %get3A_203 = arith.constant 0 : index
    %get3A_204 = vector.load %arg2[%get3A_201, %get3A_202, %get3A_203] : memref<32x80x128xf32, #tpu.memory_space<vmem>>, vector<1x20x128xf32>
    %get3A_205 = vector.shape_cast %get3A_204 : vector<1x20x128xf32> to vector<20x128xf32>
    %add3A_206 = arith.addf %add3A_198, %get3A_205 : vector<20x128xf32>
    %mul3A_207 = arith.constant 20 : i32
    %mul3A_208 = arith.muli %arg0, %mul3A_207 : i32
    %get3A_209 = arith.constant 25 : index
    %get3A_210 = arith.index_cast %mul3A_208 : i32 to index
    %get3A_211 = arith.constant 0 : index
    %get3A_212 = vector.load %arg2[%get3A_209, %get3A_210, %get3A_211] : memref<32x80x128xf32, #tpu.memory_space<vmem>>, vector<1x20x128xf32>
    %get3A_213 = vector.shape_cast %get3A_212 : vector<1x20x128xf32> to vector<20x128xf32>
    %add3A_214 = arith.addf %add3A_206, %get3A_213 : vector<20x128xf32>
    %mul3A_215 = arith.constant 20 : i32
    %mul3A_216 = arith.muli %arg0, %mul3A_215 : i32
    %get3A_217 = arith.constant 26 : index
    %get3A_218 = arith.index_cast %mul3A_216 : i32 to index
    %get3A_219 = arith.constant 0 : index
    %get3A_220 = vector.load %arg2[%get3A_217, %get3A_218, %get3A_219] : memref<32x80x128xf32, #tpu.memory_space<vmem>>, vector<1x20x128xf32>
    %get3A_221 = vector.shape_cast %get3A_220 : vector<1x20x128xf32> to vector<20x128xf32>
    %add3A_222 = arith.addf %add3A_214, %get3A_221 : vector<20x128xf32>
    %mul3A_223 = arith.constant 20 : i32
    %mul3A_224 = arith.muli %arg0, %mul3A_223 : i32
    %get3A_225 = arith.constant 27 : index
    %get3A_226 = arith.index_cast %mul3A_224 : i32 to index
    %get3A_227 = arith.constant 0 : index
    %get3A_228 = vector.load %arg2[%get3A_225, %get3A_226, %get3A_227] : memref<32x80x128xf32, #tpu.memory_space<vmem>>, vector<1x20x128xf32>
    %get3A_229 = vector.shape_cast %get3A_228 : vector<1x20x128xf32> to vector<20x128xf32>
    %add3A_230 = arith.addf %add3A_222, %get3A_229 : vector<20x128xf32>
    %mul3A_231 = arith.constant 20 : i32
    %mul3A_232 = arith.muli %arg0, %mul3A_231 : i32
    %get3A_233 = arith.constant 28 : index
    %get3A_234 = arith.index_cast %mul3A_232 : i32 to index
    %get3A_235 = arith.constant 0 : index
    %get3A_236 = vector.load %arg2[%get3A_233, %get3A_234, %get3A_235] : memref<32x80x128xf32, #tpu.memory_space<vmem>>, vector<1x20x128xf32>
    %get3A_237 = vector.shape_cast %get3A_236 : vector<1x20x128xf32> to vector<20x128xf32>
    %add3A_238 = arith.addf %add3A_230, %get3A_237 : vector<20x128xf32>
    %mul3A_239 = arith.constant 20 : i32
    %mul3A_240 = arith.muli %arg0, %mul3A_239 : i32
    %get3A_241 = arith.constant 29 : index
    %get3A_242 = arith.index_cast %mul3A_240 : i32 to index
    %get3A_243 = arith.constant 0 : index
    %get3A_244 = vector.load %arg2[%get3A_241, %get3A_242, %get3A_243] : memref<32x80x128xf32, #tpu.memory_space<vmem>>, vector<1x20x128xf32>
    %get3A_245 = vector.shape_cast %get3A_244 : vector<1x20x128xf32> to vector<20x128xf32>
    %add3A_246 = arith.addf %add3A_238, %get3A_245 : vector<20x128xf32>
    %mul3A_247 = arith.constant 20 : i32
    %mul3A_248 = arith.muli %arg0, %mul3A_247 : i32
    %get3A_249 = arith.constant 30 : index
    %get3A_250 = arith.index_cast %mul3A_248 : i32 to index
    %get3A_251 = arith.constant 0 : index
    %get3A_252 = vector.load %arg2[%get3A_249, %get3A_250, %get3A_251] : memref<32x80x128xf32, #tpu.memory_space<vmem>>, vector<1x20x128xf32>
    %get3A_253 = vector.shape_cast %get3A_252 : vector<1x20x128xf32> to vector<20x128xf32>
    %add3A_254 = arith.addf %add3A_246, %get3A_253 : vector<20x128xf32>
    %mul3A_255 = arith.constant 20 : i32
    %mul3A_256 = arith.muli %arg0, %mul3A_255 : i32
    %get3A_257 = arith.constant 31 : index
    %get3A_258 = arith.index_cast %mul3A_256 : i32 to index
    %get3A_259 = arith.constant 0 : index
    %get3A_260 = vector.load %arg2[%get3A_257, %get3A_258, %get3A_259] : memref<32x80x128xf32, #tpu.memory_space<vmem>>, vector<1x20x128xf32>
    %get3A_261 = vector.shape_cast %get3A_260 : vector<1x20x128xf32> to vector<20x128xf32>
    %add3A_262 = arith.addf %add3A_254, %get3A_261 : vector<20x128xf32>
    %iota3A = tpu.iota {dimensions = array<i32: 0>} : vector<2560x20xi32>
    %iota3A_263 = tpu.iota {dimensions = array<i32: 1>} : vector<2560x20xi32>
    %jit3A = arith.constant 128 : i32
    %div3A = vector.broadcast %jit3A : i32 to vector<2560x20xi32>
    %div3A_264 = arith.divsi %iota3A, %div3A : vector<2560x20xi32>
    %sign3A = arith.constant 0 : i32
    %sign3A_265 = vector.broadcast %sign3A : i32 to vector<2560x20xi32>
    %sign3A_266 = arith.cmpi sgt, %iota3A, %sign3A_265 : vector<2560x20xi32>
    %sign3A_267 = arith.extui %sign3A_266 : vector<2560x20xi1> to vector<2560x20xi32>
    %sign3A_268 = arith.constant 0 : i32
    %sign3A_269 = vector.broadcast %sign3A_268 : i32 to vector<2560x20xi32>
    %sign3A_270 = arith.cmpi slt, %iota3A, %sign3A_269 : vector<2560x20xi32>
    %sign3A_271 = arith.extui %sign3A_270 : vector<2560x20xi1> to vector<2560x20xi32>
    %sign3A_272 = arith.subi %sign3A_267, %sign3A_271 : vector<2560x20xi32>
    %sign3A_273 = arith.constant 0 : i32
    %sign3A_274 = arith.cmpi sgt, %jit3A, %sign3A_273 : i32
    %sign3A_275 = arith.extui %sign3A_274 : i1 to i32
    %sign3A_276 = arith.constant 0 : i32
    %sign3A_277 = arith.cmpi slt, %jit3A, %sign3A_276 : i32
    %sign3A_278 = arith.extui %sign3A_277 : i1 to i32
    %sign3A_279 = arith.subi %sign3A_275, %sign3A_278 : i32
    %ne3A = vector.broadcast %sign3A_279 : i32 to vector<2560x20xi32>
    %ne3A_280 = arith.cmpi ne, %sign3A_272, %ne3A : vector<2560x20xi32>
    %rem3A = vector.broadcast %jit3A : i32 to vector<2560x20xi32>
    %rem3A_281 = arith.remsi %iota3A, %rem3A : vector<2560x20xi32>
    %ne3A_282 = arith.constant 0 : i32
    %ne3A_283 = vector.broadcast %ne3A_282 : i32 to vector<2560x20xi32>
    %ne3A_284 = arith.cmpi ne, %rem3A_281, %ne3A_283 : vector<2560x20xi32>
    %and3A = arith.andi %ne3A_280, %ne3A_284 : vector<2560x20xi1>
    %sub3A = arith.constant 1 : i32
    %sub3A_285 = vector.broadcast %sub3A : i32 to vector<2560x20xi32>
    %sub3A_286 = arith.subi %div3A_264, %sub3A_285 : vector<2560x20xi32>
    %select_n3A = arith.select %and3A, %sub3A_286, %div3A_264 : vector<2560x20xi1>, vector<2560x20xi32>
    %eq3A = arith.cmpi eq, %iota3A_263, %select_n3A : vector<2560x20xi32>
    %convert_element_type3A = arith.extui %eq3A : vector<2560x20xi1> to vector<2560x20xi32>
    %convert_element_type3A_287 = arith.sitofp %convert_element_type3A : vector<2560x20xi32> to vector<2560x20xf32>
    %iota3A_288 = tpu.iota {dimensions = array<i32: 0>} : vector<2560x128xi32>
    %iota3A_289 = tpu.iota {dimensions = array<i32: 1>} : vector<2560x128xi32>
    %jit3A_290 = arith.constant 128 : i32
    %eq3A_291 = arith.constant 0 : i32
    %eq3A_292 = arith.cmpi eq, %jit3A_290, %eq3A_291 : i32
    %jit3A_293 = arith.constant 1 : i32
    %select_n3A_294 = arith.select %eq3A_292, %jit3A_293, %jit3A_290 : i32
    %rem3A_295 = vector.broadcast %select_n3A_294 : i32 to vector<2560x128xi32>
    %rem3A_296 = arith.remsi %iota3A_288, %rem3A_295 : vector<2560x128xi32>
    %ne3A_297 = arith.constant 0 : i32
    %ne3A_298 = vector.broadcast %ne3A_297 : i32 to vector<2560x128xi32>
    %ne3A_299 = arith.cmpi ne, %rem3A_296, %ne3A_298 : vector<2560x128xi32>
    %lt3A = arith.constant 0 : i32
    %lt3A_300 = vector.broadcast %lt3A : i32 to vector<2560x128xi32>
    %lt3A_301 = arith.cmpi slt, %rem3A_296, %lt3A_300 : vector<2560x128xi32>
    %lt3A_302 = arith.constant 0 : i32
    %lt3A_303 = arith.cmpi slt, %select_n3A_294, %lt3A_302 : i32
    %ne3A_304 = vector.broadcast %lt3A_303 : i1 to vector<2560x128xi1>
    %ne3A_305 = vector.broadcast %ne3A_304 : vector<2560x128xi1> to vector<2560x128xi1>
    %ne3A_306 = arith.xori %lt3A_301, %ne3A_305 : vector<2560x128xi1>
    %and3A_307 = arith.andi %ne3A_306, %ne3A_299 : vector<2560x128xi1>
    %add3A_308 = vector.broadcast %select_n3A_294 : i32 to vector<2560x128xi32>
    %add3A_309 = arith.addi %rem3A_296, %add3A_308 : vector<2560x128xi32>
    %select_n3A_310 = arith.select %and3A_307, %add3A_309, %rem3A_296 : vector<2560x128xi1>, vector<2560x128xi32>
    %eq3A_311 = arith.cmpi eq, %iota3A_289, %select_n3A_310 : vector<2560x128xi32>
    %convert_element_type3A_312 = arith.extui %eq3A_311 : vector<2560x128xi1> to vector<2560x128xi32>
    %convert_element_type3A_313 = arith.sitofp %convert_element_type3A_312 : vector<2560x128xi32> to vector<2560x128xf32>
    %dot_general3A = arith.constant dense<0.000000e+00> : vector<2560x128xf32>
    %dot_general3A_314 = tpu.matmul %convert_element_type3A_287, %add3A_262, %dot_general3A {dimension_numbers = #tpu.dot_dimension_numbers<[1], [0], [0], [1], [0, 0, 1, 1], [], []>, transpose_lhs_hint = false} : vector<2560x20xf32>, vector<20x128xf32>, vector<2560x128xf32> -> vector<2560x128xf32>
    %mul3A_315 = arith.mulf %dot_general3A_314, %convert_element_type3A_313 : vector<2560x128xf32>
    %reduce_sum3A = arith.constant dense<0.000000e+00> : vector<2560xf32>
    %reduce_sum3A_316 = vector.multi_reduction <add>, %mul3A_315, %reduce_sum3A [1] : vector<2560x128xf32> to vector<2560xf32>
    %broadcast_in_dim3A = vector.shape_cast %reduce_sum3A_316 : vector<2560xf32> to vector<2560x1xf32>
    %get3A_317 = arith.constant 0 : index
    %get3A_318 = arith.constant 0 : index
    %get3A_319 = vector.load %arg3[%get3A_317, %get3A_318] : memref<128x128xf32, #tpu.memory_space<vmem>>, vector<128x128xf32>
    %dot_general3A_320 = arith.constant dense<0.000000e+00> : vector<2560x128xf32>
    %dot_general3A_321 = tpu.matmul %add3A, %get3A_319, %dot_general3A_320 {dimension_numbers = #tpu.dot_dimension_numbers<[1], [0], [0], [1], [0, 0, 1, 1], [], []>, transpose_lhs_hint = false} : vector<2560x128xf32>, vector<128x128xf32>, vector<2560x128xf32> -> vector<2560x128xf32>
    %get3A_322 = arith.constant 0 : index
    %get3A_323 = arith.constant 0 : index
    %get3A_324 = vector.load %arg4[%get3A_322, %get3A_323] : memref<1x128xf32, #tpu.memory_space<vmem>>, vector<1x128xf32>
    %mul3A_325 = vector.broadcast %broadcast_in_dim3A : vector<2560x1xf32> to vector<2560x128xf32>
    %mul3A_326 = vector.broadcast %get3A_324 : vector<1x128xf32> to vector<2560x128xf32>
    %mul3A_327 = arith.mulf %mul3A_325, %mul3A_326 : vector<2560x128xf32>
    %add3A_328 = arith.addf %dot_general3A_321, %mul3A_327 : vector<2560x128xf32>
    %max3A = arith.constant 1.000000e+00 : f32
    %max3A_329 = vector.broadcast %max3A : f32 to vector<2560x1xf32>
    %max3A_330 = arith.maximumf %broadcast_in_dim3A, %max3A_329 : vector<2560x1xf32>
    %div3A_331 = vector.broadcast %max3A_330 : vector<2560x1xf32> to vector<2560x128xf32>
    %div3A_332 = arith.divf %add3A_328, %div3A_331 : vector<2560x128xf32>
    %max3A_333 = arith.constant 0.000000e+00 : f32
    %max3A_334 = vector.broadcast %max3A_333 : f32 to vector<2560x128xf32>
    %max3A_335 = arith.maximumf %div3A_332, %max3A_334 : vector<2560x128xf32>
    %swap3A = arith.constant 0 : index
    %swap3A_336 = arith.constant 0 : index
    %swap3A_337 = vector.load %arg5[%swap3A, %swap3A_336] : memref<2560x128xf32, #tpu.memory_space<vmem>>, vector<2560x128xf32>
    tpu.vector_store %arg5[%swap3A, %swap3A_336], %max3A_335 {strides = array<i32>} : memref<2560x128xf32, #tpu.memory_space<vmem>>, vector<2560x128xf32>,
    return
  }
  func.func @transform_0(%arg0: i32) -> (i32, i32, i32) {
    %c0_i32 = arith.constant 0 : i32
    %c0_i32_0 = arith.constant 0 : i32
    %c0_i32_1 = arith.constant 0 : i32
    return %c0_i32, %arg0, %c0_i32_0 : i32, i32, i32
  }
  func.func @transform_1(%arg0: i32) -> (i32, i32, i32) {
    %c0_i32 = arith.constant 0 : i32
    %c0_i32_0 = arith.constant 0 : i32
    %c0_i32_1 = arith.constant 0 : i32
    %c0_i32_2 = arith.constant 0 : i32
    return %c0_i32, %c0_i32_0, %c0_i32_1 : i32, i32, i32
  }
  func.func @transform_2(%arg0: i32) -> (i32, i32) {
    %c0_i32 = arith.constant 0 : i32
    %c0_i32_0 = arith.constant 0 : i32
    %c0_i32_1 = arith.constant 0 : i32
    return %c0_i32, %c0_i32_0 : i32, i32
  }
  func.func @transform_3(%arg0: i32) -> (i32, i32) {
    %c0_i32 = arith.constant 0 : i32
    %c0_i32_0 = arith.constant 0 : i32
    %c0_i32_1 = arith.constant 0 : i32
    return %c0_i32, %c0_i32_0 : i32, i32
  }
  func.func @transform_4(%arg0: i32) -> (i32, i32) {
    %c0_i32 = arith.constant 0 : i32
    %c0_i32_0 = arith.constant 0 : i32
    return %arg0, %c0_i32 : i32, i32
  }
}

</mosaic_0001>

<sc_bundles>
// kernel: kernel.4.cloned.1.call-start
scs
__scs_entry_jumppad:
0x0: {  	(pc) =	sbr.rel $0x88, $3  }
0x1: {  	(tag) =	ssettag $0x0;
	lr =	simm.s32 $0x1  }
0x2: {  	[smem:$0x3F9D] =	sst lr;
	_ =	strace $0xD0000000  }
0x3: {  	_ = 	snop  }
0x4: {  	_ = 	snop  }
0x5: {  	_ = 	snop  }
0x6: {  	_ = 	snop  }
0x7: {  	_ = 	snop  }
__scs_overlays_trampoline_lowered:
0x8: {  	[smem:$0x3FAC] =	sst s0  }
0x9: {  	[smem:$0x3FAD] =	sst s1  }
0xa: {  	[smem:$0x3FAE] =	sst s2  }
0xb: {  	[smem:$0x3FAF] =	sst s3  }
0xc: {  	[smem:$0x3FB0] =	sst s4  }
0xd: {  	[smem:$0x3FB1] =	sst s5  }
0xe: {  	[smem:$0x3FB2] =	sst s6  }
0xf: {  	[smem:$0x3FB3] =	sst s7  }
0x10: {  	[smem:$0x3FB4] =	sst s8  }
0x11: {  	[smem:$0x3FB5] =	sst s9;
	s0 =	simm.s32 @!p0 $0x0  }
0x12: {  	s1 =	sld [smem:$0x3F9B];
	s0 =	simm.s32 @p0 $0x1  }
0x13: {  	[smem:$0x3FB6] =	sst s0;
	s0 =	simm.s32 @!p1 $0x0  }
0x14: {  	s2 =	sld [smem:$0x3F9A];
	s0 =	simm.s32 @p1 $0x1  }
0x15: {  	[smem:$0x3FB7] =	sst s0;
	s0 =	simm.s32 @!p2 $0x0  }
0x16: {  	s3 =	sld [smem:$0x3FDB];
	s0 =	simm.s32 @p2 $0x1  }
0x17: {  	s4 =	simm.s32 $0x1BF5;
	[smem:$0x3FB9] =	sst s0  }
0x18: {  	s0 =	sld [smem:$0x3F9C];
	_ =	swait.ge [sflag:s4], $0x0  }
0x19: {  	s7 =	sld [smem:$0x3F9D]  }
0x1a: {  	s8 =	sadd.s32 $0xFFFFE003, lr  }
0x1b: {  	s9 =	sadd.s32 $0xFFFFFEF7, lr;
	s5 =	simm.s32 $0xFFFFFFFF;
	p2 =	slt.u32 s8, $0xFFFFF086  }
0x1c: {  	p1 =	slt.u32 s9, $0xF7A;
	s5 =	simm.s32 @!p2 $0x0  }
0x1d: {  	s5 =	simm.s32 @p1 $0x1;
	p0 =	seq.s32 s7, s2  }
0x1e: {  	s7 =	smul.u32 @!p0 $0xF7A, s2;
	p2 =	seq.s32 @!p0 s5, $0x0  }
0x1f: {  	s9 =	smul.u32 $0xF7A, s1;
	s8 =	simm.s32 @!p0 $0x1BF5;
	p2 =	por !p2, p0  }
0x20: {  	[sflag:s8] =	ssyncset.s32 @!p0 $0xFFFFF086;
	s6 =	sadd.s32 @!p0 s3, s7;
	s7 =	simm.s32 @!p0 $0x108  }
0x21: {  	s3 =	sadd.s32 s3, s9;
	s6 =	sadd.s32 @!p0 $0x88, s6;
	s7 =	simm.s32 @p2 $0x1082  }
0x22: {  	[simem:s7], [sflag:s8] =	dma.local @!p0 [hbm:s6], $0xF7A  }
0x23: {  	s9 =	sor.u32 $0xD0000000, s2;
	s6 =	simm.s32 $0x108;
	_ =	swait.ge @!p0 [sflag:s8], $0x0  }
0x24: {  	s3 =	sadd.s32 $0x88, s3;
	s6 =	simm.s32 @!p1 $0x1082;
	[sflag:s4] =	ssyncset.s32 $0xFFFFF086  }
0x25: {  	[simem:s6], [sflag:s4] =	dma.local [hbm:s3], $0xF7A  }
0x26: {  	[smem:$0x3F9D] =	sst s1;
	(tag) =	ssettag s2;
	_ =	strace s9  }
0x27: {  	s1 =	sld [smem:$0x3FAD]  }
0x28: {  	s2 =	sld [smem:$0x3FAE]  }
0x29: {  	s4 =	sld [smem:$0x3FB0]  }
0x2a: {  	p0 =	seq.s32 s5, $0x0;
	s5 =	sld [smem:$0x3FB1]  }
0x2b: {  	s6 =	sld [smem:$0x3FB2]  }
0x2c: {  	s7 =	sld [smem:$0x3FB3]  }
0x2d: {  	s3 =	simm.s32 $0x108;
	s8 =	sld [smem:$0x3FB4]  }
0x2e: {  	s3 =	simm.s32 @!p0 $0x1082;
	s9 =	sld [smem:$0x3FB5]  }
0x2f: {  	lr =	sadd.s32 s0, s3;
	s0 =	sld [smem:$0x3FAC]  }
0x30: {  	s3 =	sld [smem:$0x3FAF]  }
0x31: {  	[smem:$0x3FB8] =	sst s10  }
0x32: {  	s10 =	sld [smem:$0x3FB6];
	_ =	sdelay $0x3  }
0x33: {  	p0 =	seq.s32 s10, $0x1;
	s10 =	sld [smem:$0x3FB8];
	_ =	sdelay $0x3  }
0x34: {  	[smem:$0x3FB8] =	sst s10  }
0x35: {  	s10 =	sld [smem:$0x3FB7];
	_ =	sdelay $0x3  }
0x36: {  	p1 =	seq.s32 s10, $0x1;
	s10 =	sld [smem:$0x3FB8];
	_ =	sdelay $0x3  }
0x37: {  	[smem:$0x3FB8] =	sst s10  }
0x38: {  	s10 =	sld [smem:$0x3FB9]  }
0x39: {  	_ = 	snop;
	(pc) =	sbr.ind lr, $3  }
0x3a: {  	_ = 	snop  }
0x3b: {  	_ = 	snop  }
0x3c: {  	p2 =	seq.s32 s10, $0x1;
	s10 =	sld [smem:$0x3FB8]  }
0x3d: {  	_ =	shalt  }
0x3e: {  	_ =	shalt  }
0x3f: {  	_ =	shalt  }
0x40: {  	_ =	shalt  }
0x41: {  	_ =	shalt  }
0x42: {  	_ =	shalt  }
0x43: {  	_ =	shalt  }
0x44: {  	_ =	shalt  }
0x45: {  	_ =	shalt  }
0x46: {  	_ =	shalt  }
0x47: {  	_ =	shalt  }
0x48: {  	_ =	shalt  }
0x49: {  	_ =	shalt  }
0x4a: {  	_ =	shalt  }
0x4b: {  	_ =	shalt  }
0x4c: {  	_ =	shalt  }
0x4d: {  	_ =	shalt  }
0x4e: {  	_ =	shalt  }
0x4f: {  	_ =	shalt  }
0x50: {  	_ =	shalt  }
0x51: {  	_ =	shalt  }
0x52: {  	_ =	shalt  }
0x53: {  	_ =	shalt  }
0x54: {  	_ =	shalt  }
0x55: {  	_ =	shalt  }
0x56: {  	_ =	shalt  }
0x57: {  	_ =	shalt  }
0x58: {  	_ =	shalt  }
0x59: {  	_ =	shalt  }
0x5a: {  	_ =	shalt  }
0x5b: {  	_ =	shalt  }
0x5c: {  	_ =	shalt  }
0x5d: {  	_ =	shalt  }
0x5e: {  	_ =	shalt  }
0x5f: {  	_ =	shalt  }
0x60: {  	_ =	shalt  }
0x61: {  	_ =	shalt  }
0x62: {  	_ =	shalt  }
0x63: {  	_ =	shalt  }
0x64: {  	_ =	shalt  }
0x65: {  	_ =	shalt  }
0x66: {  	_ =	shalt  }
0x67: {  	_ =	shalt  }
0x68: {  	_ =	shalt  }
0x69: {  	_ =	shalt  }
0x6a: {  	_ =	shalt  }
0x6b: {  	_ =	shalt  }
0x6c: {  	_ =	shalt  }
0x6d: {  	_ =	shalt  }
0x6e: {  	_ =	shalt  }
0x6f: {  	_ =	shalt  }
0x70: {  	_ =	shalt  }
0x71: {  	_ =	shalt  }
0x72: {  	_ =	shalt  }
0x73: {  	_ =	shalt  }
0x74: {  	_ =	shalt  }
0x75: {  	_ =	shalt  }
0x76: {  	_ =	shalt  }
0x77: {  	_ =	shalt  }
0x78: {  	_ =	shalt  }
0x79: {  	_ =	shalt  }
0x7a: {  	_ =	shalt  }
0x7b: {  	_ =	shalt  }
0x7c: {  	_ =	shalt  }
0x7d: {  	_ =	shalt  }
0x7e: {  	_ =	shalt  }
0x7f: {  	_ =	shalt  }
0x80: {  	_ =	shalt  }
0x81: {  	_ =	shalt  }
0x82: {  	_ =	shalt  }
0x83: {  	_ =	shalt  }
0x84: {  	_ =	shalt  }
0x85: {  	_ =	shalt  }
0x86: {  	_ =	shalt  }
0x87: {  	_ =	shalt  }
.Lfunc_end0:
.L_simem_size_0:
called_computation_lowered:
.L_overlay_start_0:
0x88: {  	s2 =	sld [smem:$0x3FD9]  }
0x89: {  	s3 =	sld [smem:$0x3FFE];
	_ =	sdelay $0x1  }
0x8a: {  	s1 =	srdreg.scid  }
0x8b: {  	s0 =	sand.u32 $0x1, s1  }
0x8c: {  	s17 =	sshll.u32 s0, $0xA;
	s2 =	sadd.s32 s3, s2  }
0x8d: {  	s2 =	sadd.s32 s2, s17  }
0x8e: {  	[smem:$0x3FC4] =	sst s2  }
0x8f: {  	_ = 	snop  }
0x90: {  	s2 =	sld [smem:$0x3FC9]  }
0x91: {  	s18 =	sld [smem:$0x3FD0];
	(tm) =	ssettm $0x1  }
0x92: {  	s4 =	sld [smem:$0x3FFB];
	_ =	sdelay $0x3  }
0x93: {  	_ =	strace s4  }
0x94: {  	s4 =	sld [smem:$0x3FFC];
	_ =	sdelay $0x3  }
0x95: {  	_ =	strace s4  }
0x96: {  	s4 =	sld [smem:$0x3FFD];
	_ =	sdelay $0x3  }
0x97: {  	_ =	strace s4  }
0x98: {  	_ =	strace $0x8FFFFFFF  }
0x99: {  	s19 =	sld [smem:$0x3FDB];
	_ =	sdelay $0x1  }
0x9a: {  	s5 =	simm.s32 $_scs_section_size  }
0x9b: {  	s6 =	simm.s32 $_size__tile_overlayer_lowered;
	s7 =	simm.s32 $_tile_overlayer_lowered  }
0x9c: {  	s22 =	simm.s32 $0x1BFF;
	s21 =	sshll.u32 s7, $0x1;
	s4 =	sadd.s32 s5, s19  }
0x9d: {  	s8 =	simm.s32 $0x0;
	s20 =	sshll.u32 s6, $0x1;
	s6 =	sadd.s32 s21, s4  }
0x9e: {  	[timem:s8], [sflag:s22] =	dma.local [hbm:s6], s20  }
0x9f: {  	_ =	swait.ge [sflag:s22], s20  }
0xa0: {  	s5 =	ssub.s32 $0x0, s20;
	[sflag:s22] =	ssyncset.done $0x0  }
0xa1: {  	[sflag:s22] =	ssyncadd.s32 s5;
	_ =	sdelay $0x1  }
0xa2: {  	s23 =	simm.s32 $0x1B8B  }
0xa3: {  	_ =	swait.ge [sflag:s23], $0x1  }
0xa4: {  	[sflag:s23] =	ssyncset.done $0x0  }
0xa5: {  	s25 =	simm.s32 $0x1B8E;
	s24 =	sld [smem:$0x3FFE];
	[sflag:s23] =	ssyncadd.s32 $0xFFFFFFFF  }
0xa6: {  	s26 =	simm.s32 $execute0_lowered;
	[smem:$0x3FD2] =	sst s25  }
0xa7: {  	s6 =	sshll.u32 s26, $0x1;
	_ =	strace $0x80000046;
	[dreg:$0x1] =	wrdreg $0xFFFFFFFF  }
0xa8: {  	s28 =	simm.s32 $_size_execute0_lowered;
	s4 =	sadd.s32 s4, s6;
	[dreg:$0x0] =	wrdreg $0x0  }
0xa9: {  	s6 =	sshll.u32 s28, $0x1;
	[dreg:$0x2] =	wrdreg s4  }
0xaa: {  	[dreg:$0x3] =	wrdreg s6  }
0xab: {  	[dreg:$0x4] =	wrdreg $0xC0  }
0xac: {  	_ =	task [dreg:s8], $0x5FFFF  }
0xad: {  	[dreg:$0x1] =	wrdreg $0xFFFFFFFF  }
0xae: {  	[dreg:$0x0] =	wrdreg $0x60  }
0xaf: {  	[dreg:$0x2] =	wrdreg s2  }
0xb0: {  	[dreg:$0x3] =	wrdreg s18  }
0xb1: {  	[dreg:$0x4] =	wrdreg s24  }
0xb2: {  	[dreg:$0x5] =	wrdreg $0xB0000  }
0xb3: {  	[dreg:$0x6] =	wrdreg $0x9  }
0xb4: {  	_ =	task.clear_ibuf [dreg:s8], $0x7FFFF;
	_ =	strace $0x90000046  }
0xb5: {  	s29 =	simm.s32 $0x9;
	_ =	strace $0x80000048  }
0xb6: {  	_ =	swait.ge [sflag:s29], $0x1  }
0xb7: {  	[sflag:s29] =	ssyncadd.s32 $0xFFFFFFFF  }
0xb8: {  	_ =	strace $0x90000048  }
0xb9: {  	_ =	sfence  }
0xba: {  	s30 =	sld [smem:$0x0];
	_ =	sdelay $0x2  }
0xbb: {  	s31 =	sshll.u32 s1, $0xD;
	s1 =	sshrl.u32 s1, $0x2  }
0xbc: {  	s3 =	sand.u32 $0x4000, s31;
	s1 =	sadd.s32 s1, s30  }
0xbd: {  	s0 =	sor.u32 s3, s0;
	s1 =	sshll.u32 s1, $0x11  }
0xbe: {  	s0 =	sor.u32 s1, s0  }
0xbf: {  	s0 =	sadd.s32 $0x8F2B, s0  }
0xc0: {  	[sflag:s0] =	ssyncadd.remote.s32 $0x1  }
0xc1: {  	_ =	sfence.sel $0xFFFF  }
0xc2: {  	[dreg:$0x0] =	wrdreg $0xFFFFFFFF;
	(pc) =	sbr.abs _section_cstart, $3  }
0xc3: {  	[dreg:$0x1] =	wrdreg $0xFFFFFFFF  }
0xc4: {  	_ =	task.clear_ibuf [dreg:s8], $0x2FFFF;
	_ =	strace $0x9FFFFFFF  }
0xc5: {  	(tm) =	ssettm $0x7FFFFFFF  }
tec
execute0_lowered:
.L_overlay_start_1:
0x0: {  	(tag) =	ssettag $0x1  }
0x1: {  	s1 =	rddreg [dreg:$0x0]  }
0x2: {  	s0 =	srdreg.scid;
	s2 =	rddreg [dreg:$0x1]  }
0x3: {  	s18 =	stileid.u32;
	s3 =	rddreg [dreg:$0x2]  }
0x4: {  	s4 =	rddreg [dreg:$0x3];
	s0 =	sand.u32 $0x1, s0;
	s11 =	smul.u32 $0x14000, s18  }
0x5: {  	s31 =	simm.s32 $0x6000;
	s5 =	sshrl.u32 s18, $0x3;
	s6 =	smul.u32 $0x28000, s0  }
0x6: {  	s8 =	sshll.u32 s18, $0x7;
	s10 =	sshll.u32 s18, $0x1;
	s7 =	smul.u32 $0x14000, s5  }
0x7: {  	s5 =	simm.s32 $0x0;
	s22 =	sand.u32 $0x380, s8;
	s23 =	ssub.s32 $0x2, s0  }
0x8: {  	[smem:$0x7FF] =	sst s5;
	s9 =	sshrl.u32 s23, $0x1;
	s12 =	sadd.s32 $0x5000, s11  }
0x9: {  	s13 =	sadd.s32 $0x7800, s11;
	s16 =	sadd.s32 $0xA000, s11;
	s28 =	sadd.s32 $0xC800, s11  }
0xa: {  	s29 =	sadd.s32 $0xF000, s11;
	s6 =	sadd.s32 s6, s7;
	_ =	strace $0x80000047  }
0xb: {  	s8 =	ssub.s32 s23, s9;
	s9 =	sor.u32 s0, s10;
	s0 =	smul.u32 $0x140000, s0  }
0xc: {  	s7 =	sadd.s32 $0x6F200, s3;
	s10 =	sor.u32 $0x2800, s11;
	s6 =	sor.u32 s22, s6  }
0xd: {  	s6 =	sshrl.u32 s6, $0x3;
	s14 =	sadd.s32 s0, s11;
	s15 =	sadd.s32 s0, s10  }
0xe: {  	s11 =	sadd.s32 $0x11800, s11;
	s25 =	sadd.s32 s0, s12;
	s26 =	sadd.s32 s0, s13  }
0xf: {  	s17 =	sadd.s32 s0, s16;
	s21 =	sadd.s32 s0, s28;
	s22 =	sadd.s32 s0, s29  }
0x10: {  	s28 =	sadd.s32 s28, s4;
	s29 =	sadd.s32 s29, s4;
	s6 =	sadd.s32 s6, s3  }
0x11: {  	s14 =	sshrl.u32 s14, $0x3;
	s15 =	sshrl.u32 s15, $0x3;
	s19 =	sshrl.u32 s17, $0x3  }
0x12: {  	s0 =	sadd.s32 s0, s11;
	s23 =	sshrl.u32 s22, $0x3;
	s22 =	smax.u32 s8, $0x1  }
0x13: {  	s30 =	sadd.s32 s11, s4;
	s8 =	simm.s32 $0x50;
	s14 =	sadd.s32 s7, s14  }
0x14: {  	s24 =	sadd.s32 s7, s15;
	s15 =	sshrl.u32 s26, $0x3;
	s20 =	sadd.s32 s7, s19  }
0x15: {  	s0 =	sshrl.u32 s0, $0x3;
	s19 =	smul.u32 $0x14000, s9;
	[dreg:$0x5] =	wrdreg s14  }
0x16: {  	s26 =	sadd.s32 $0x65200, s6;
	s6 =	simm.s32 $0x1000;
	[dreg:$0x6] =	wrdreg s24  }
0x17: {  	s14 =	sshrl.u32 s25, $0x3;
	[dreg:$0x9] =	wrdreg s20;
	s0 =	sadd.s32 s7, s0  }
0x18: {  	s24 =	smul.u32 $0x50000, s18;
	s25 =	sadd.s32 $0x64C00, s3;
	[dreg:$0xf] =	wrdreg s26  }
0x19: {  	s18 =	smul.u32 $0x5000, s9;
	s26 =	sadd.s32 s16, s4;
	[dreg:$0xc] =	wrdreg s0  }
0x1a: {  	s9 =	simm.s32 $0x1;
	s14 =	sadd.s32 s7, s14;
	[dreg:$0xd] =	wrdreg s25  }
0x1b: {  	s25 =	sadd.s32 s13, s4;
	[dreg:$0x7] =	wrdreg s14;
	s14 =	sadd.s32 s7, s15  }
0x1c: {  	s15 =	sadd.s32 $0x600, s3;
	[dreg:$0x8] =	wrdreg s14;
	s14 =	sshrl.u32 s21, $0x3  }
0x1d: {  	s0 =	sshrl.u32 s24, $0x2;
	s24 =	sadd.s32 s12, s4;
	s14 =	sadd.s32 s7, s14  }
0x1e: {  	s21 =	sadd.s32 s0, s4;
	s0 =	simm.s32 $0x8800;
	[dreg:$0xa] =	wrdreg s14  }
0x1f: {  	s14 =	sadd.s32 s7, s23;
	s23 =	sadd.s32 s10, s4;
	s7 =	simm.s32 $0x2000  }
0x20: {  	[dreg:$0xb] =	wrdreg s14;
	s14 =	sadd.s32 $0x50600, s3;
	s3 =	sadd.s32 $0x64600, s3  }
0x21: {  	s10 =	simm.s32 $0x0;
	[dreg:$0xe] =	wrdreg s3;
	s3 =	simm.s32 $0x2  }
.LBB2_1:
0x22: {  	s11 =	rddreg [dreg:$0xd]  }
0x23: {  	[tilespmem:s31], [sflag:$0x2] =	stream.linear.gather [hbm4b:s11+s5], $0x2800, $0x38;
	[tilespmem:$0x1F000] =	vst v63  }
0x24: {  	_ =	swait.ge [sflag:s3], $0x2800  }
0x25: {  	[sflag:s3] =	ssyncset.done $0x0  }
0x26: {  	s20 =	rddreg [dreg:$0xe];
	[sflag:s3] =	ssyncadd.s32 $0xFFFFD800  }
0x27: {  	[tilespmem:s0], [sflag:$0x2] =	stream.linear.gather [hbm4b:s20+s5], $0x2800, $0x38;
	[tilespmem:$0x1F000] =	vst v63  }
0x28: {  	_ =	swait.ge [sflag:s3], $0x2800  }
0x29: {  	[sflag:s3] =	ssyncset.done $0x0  }
0x2a: {  	[sflag:s3] =	ssyncadd.s32 $0xFFFFD800  }
0x2b: {  	[spmem:s21] =	stream.linear.scatter [tilespmem:s31], [sflag:$0x2], $0x2800, $0x38;
	[tilespmem:$0x1F000] =	vst v63  }
0x2c: {  	_ =	swait.ge [sflag:s3], $0x2800  }
0x2d: {  	[sflag:s3] =	ssyncset.done $0x0  }
0x2e: {  	[sflag:s3] =	ssyncadd.s32 $0xFFFFD800  }
0x2f: {  	[spmem:s23] =	stream.linear.scatter [tilespmem:s31], [sflag:$0x2], $0x2800, $0x38;
	[tilespmem:$0x1F000] =	vst v63  }
0x30: {  	_ =	swait.ge [sflag:s3], $0x2800  }
0x31: {  	[sflag:s3] =	ssyncset.done $0x0  }
0x32: {  	[sflag:s3] =	ssyncadd.s32 $0xFFFFD800  }
0x33: {  	[spmem:s24] =	stream.linear.scatter [tilespmem:s31], [sflag:$0x2], $0x2800, $0x38;
	[tilespmem:$0x1F000] =	vst v63  }
0x34: {  	_ =	swait.ge [sflag:s3], $0x2800  }
0x35: {  	[sflag:s3] =	ssyncset.done $0x0  }
0x36: {  	[sflag:s3] =	ssyncadd.s32 $0xFFFFD800  }
0x37: {  	[spmem:s25] =	stream.linear.scatter [tilespmem:s31], [sflag:$0x2], $0x2800, $0x38;
	[tilespmem:$0x1F000] =	vst v63  }
0x38: {  	_ =	swait.ge [sflag:s3], $0x2800  }
0x39: {  	[sflag:s3] =	ssyncset.done $0x0  }
0x3a: {  	[sflag:s3] =	ssyncadd.s32 $0xFFFFD800  }
0x3b: {  	[spmem:s26] =	stream.linear.scatter [tilespmem:s31], [sflag:$0x2], $0x2800, $0x38;
	[tilespmem:$0x1F000] =	vst v63  }
0x3c: {  	_ =	swait.ge [sflag:s3], $0x2800  }
0x3d: {  	[sflag:s3] =	ssyncset.done $0x0  }
0x3e: {  	[sflag:s3] =	ssyncadd.s32 $0xFFFFD800  }
0x3f: {  	[spmem:s28] =	stream.linear.scatter [tilespmem:s31], [sflag:$0x2], $0x2800, $0x38;
	[tilespmem:$0x1F000] =	vst v63  }
0x40: {  	_ =	swait.ge [sflag:s3], $0x2800  }
0x41: {  	[sflag:s3] =	ssyncset.done $0x0  }
0x42: {  	[sflag:s3] =	ssyncadd.s32 $0xFFFFD800  }
0x43: {  	[spmem:s29] =	stream.linear.scatter [tilespmem:s31], [sflag:$0x2], $0x2800, $0x38;
	[tilespmem:$0x1F000] =	vst v63  }
0x44: {  	_ =	swait.ge [sflag:s3], $0x2800  }
0x45: {  	[sflag:s3] =	ssyncset.done $0x0  }
0x46: {  	[sflag:s3] =	ssyncadd.s32 $0xFFFFD800  }
0x47: {  	[spmem:s30] =	stream.linear.scatter [tilespmem:s31], [sflag:$0x2], $0x2800, $0x38;
	[tilespmem:$0x1F000] =	vst v63  }
0x48: {  	_ =	swait.ge [sflag:s3], $0x2800  }
0x49: {  	[sflag:s3] =	ssyncset.done $0x0  }
0x4a: {  	[sflag:s3] =	ssyncadd.s32 $0xFFFFD800  }
0x4b: {  	s11 =	simm.s32 $0x0;
	[bflag:$0x0] =	sbarrier.arrive $0xFFFF  }
.LBB2_2:
0x4c: {  	s12 =	sshll.u32 s11, $0xC  }
0x4d: {  	s12 =	sadd.s32 s18, s12  }
0x4e: {  	s12 =	sshrl.u32 s12, $0x3  }
0x4f: {  	s16 =	simm.s32 $0x0;
	s13 =	sadd.s32 s2, s12  }
0x50: {  	[tilespmem:s16], [sflag:$0x2] =	stream.linear.gather [hbm4b:s13+s16], $0xC80, $0x38;
	[tilespmem:$0x1F000] =	vst v63  }
0x51: {  	_ =	swait.ge [sflag:s3], $0xC80  }
0x52: {  	[sflag:s3] =	ssyncset.done $0x0  }
0x53: {  	s12 =	sadd.s32 s14, s12;
	s13 =	sshll.u32 s11, $0xE;
	[sflag:s3] =	ssyncadd.s32 $0xFFFFF380  }
0x54: {  	[tilespmem:s6], [sflag:$0x2] =	stream.linear.gather [hbm4b:s12+s16], $0xC80, $0x38;
	[tilespmem:$0x1F000] =	vst v63  }
0x55: {  	s12 =	sadd.s32 s19, s13;
	_ =	swait.ge [sflag:s3], $0xC80  }
0x56: {  	s12 =	sshrl.u32 s12, $0x3;
	[sflag:s3] =	ssyncset.done $0x0  }
0x57: {  	s12 =	sadd.s32 s15, s12;
	[sflag:s3] =	ssyncadd.s32 $0xFFFFF380  }
0x58: {  	[tilespmem:s7], [sflag:$0x2] =	stream.linear.gather [hbm4b:s12+s16], $0x3E80, $0x38;
	[tilespmem:$0x1F000] =	vst v63  }
0x59: {  	_ =	swait.ge [sflag:s3], $0x3E80  }
0x5a: {  	[sflag:s3] =	ssyncset.done $0x0  }
0x5b: {  	s17 =	simm.s32 $0x0;
	[sflag:s3] =	ssyncadd.s32 $0xFFFFC180  }
0x5c: {  	[tilespmem:s31], [sflag:$0x1] =	stream.indirect.gather [hbm4b:s1+s8], $0x80, s17, s8, $0xb8;
	[tilespmem:$0x1F000] =	vst v63  }
0x5d: {  	_ =	swait.ge [sflag:s9], $0x2800  }
0x5e: {  	[sflag:s9] =	ssyncset.done $0x0  }
0x5f: {  	s20 =	simm.s32 $0x1000;
	[sflag:s9] =	ssyncadd.s32 $0xFFFFD800  }
0x60: {  	[spmem:s4] =	stream.indirect.scatter.add.f32 [tilespmem:s31], [sflag:$0x2], $0x80, s20, s8, $0xb8;
	[tilespmem:$0x1F000] =	vst v63  }
0x61: {  	s13 =	simm.s32 $0x200;
	_ =	swait.ge [sflag:s3], $0x2800  }
0x62: {  	s12 =	simm.s32 $0x200;
	s16 =	simm.s32 $0x400;
	[sflag:s3] =	ssyncset.done $0x0  }
.LBB2_3:
0x63: {  	s17 =	sshra.s32 s13, $0x2  }
0x64: {  	[sflag:s3] =	ssyncadd.s32 $0xFFFFD800;
	s13 =	smov.u32 s16;
	s20 =	sadd.s32 $0x200, s16  }
0x65: {  	[tilespmem:s31], [sflag:$0x1] =	stream.indirect.gather [hbm4b:s1+s8], $0x80, s17, s8, $0xb8;
	[tilespmem:$0x1F000] =	vst v63  }
0x66: {  	p0 =	sne.s32 s16, $0x3000;
	_ =	swait.ge [sflag:s9], $0x2800  }
.Ltmp0:
0x67: {  	[sflag:s9] =	ssyncset.done $0x0;
	(pc) =	sbr.rel @p0 .LBB2_3-.Ltmp0, $4  }
0x68: {  	s16 =	sadd.s32 $0x1000, s17;
	[sflag:s9] =	ssyncadd.s32 $0xFFFFD800  }
0x69: {  	[spmem:s4] =	stream.indirect.scatter.add.f32 [tilespmem:s31], [sflag:$0x2], $0x80, s16, s8, $0xb8;
	[tilespmem:$0x1F000] =	vst v63  }
0x6a: {  	_ =	swait.ge [sflag:s3], $0x2800  }
0x6b: {  	s16 =	smov.u32 s20;
	[sflag:s3] =	ssyncset.done $0x0  }
0x6c: {  	s13 =	sshra.s32 s13, $0x2;
	[sflag:s3] =	ssyncadd.s32 $0xFFFFD800  }
0x6d: {  	[tilespmem:s31], [sflag:$0x1] =	stream.indirect.gather [hbm4b:s1+s8], $0x80, s13, s8, $0xb8;
	[tilespmem:$0x1F000] =	vst v63  }
0x6e: {  	_ =	swait.ge [sflag:s9], $0x2800  }
0x6f: {  	[sflag:s9] =	ssyncset.done $0x0  }
0x70: {  	s13 =	sadd.s32 $0x1000, s13;
	[sflag:s9] =	ssyncadd.s32 $0xFFFFD800  }
0x71: {  	[spmem:s4] =	stream.indirect.scatter.add.f32 [tilespmem:s31], [sflag:$0x2], $0x80, s13, s8, $0xb8;
	[tilespmem:$0x1F000] =	vst v63  }
0x72: {  	_ =	swait.ge [sflag:s3], $0x2800  }
0x73: {  	[sflag:s3] =	ssyncset.done $0x0  }
0x74: {  	s13 =	simm.s32 $0x0;
	[sflag:s3] =	ssyncadd.s32 $0xFFFFD800  }
.LBB2_5:
0x75: {  	p0 =	sne.s32 s12, $0xF800;
	v0 =	vld [tilespmem:s13+$0x2000];
	_ =	sdelay $0x4  }
0x76: {  	(xrf1) =	vunique.msk.u32 $0xffff, v0;
	_ =	sdelay $0xd  }
0x77: {  	_, v1, vm0 =	vpop (xrf1);
	_ =	sdelay $0x1  }
.Ltmp1:
0x78: {  	(pc) =	sbr.rel @p0 .LBB2_5-.Ltmp1, $3  }
0x79: {  	_ = 	snop  }
0x7a: {  	v1 =	vcvt.s32.f32 v1;
	_ =	sdelay $0x1  }
0x7b: {  	s13 =	sshra.s32 s12, $0x2;
	s12 =	sadd.s32 $0x200, s12;
	[tilespmem:v0+s0+$0x0] =	vst.idx.add.f32.msk vm0, v1  }
0x7c: {  	v0 =	vld [tilespmem:s13+$0x2000];
	_ =	sdelay $0x4  }
0x7d: {  	(xrf1) =	vunique.msk.u32 $0xffff, v0;
	_ =	sdelay $0xd  }
0x7e: {  	s11 =	sadd.s32 $0x1, s11;
	_, v1, vm0 =	vpop (xrf1)  }
0x7f: {  	p0 =	sne.s32 s11, $0x5  }
.Ltmp2:
0x80: {  	_ = 	snop;
	(pc) =	sbr.rel @p0 .LBB2_2-.Ltmp2, $3  }
0x81: {  	_ = 	snop  }
0x82: {  	v1 =	vcvt.s32.f32 v1;
	_ =	sdelay $0x1  }
0x83: {  	[tilespmem:v0+s0+$0x0] =	vst.idx.add.f32.msk vm0, v1  }
0x84: {  	[bflag:$0x0] =	sbarrier.arrive $0xFFFF  }
0x85: {  	s12 =	simm.s32 $0x80;
	s13 =	simm.s32 $0x400;
	s11 =	rddreg [dreg:$0xf]  }
0x86: {  	[hbm4b:s11+s12] =	stream.strided.scatter [tilespmem:s0], [sflag:$0x2], $0x2800, s13, s12, $0x38;
	[tilespmem:$0x1F000] =	vst v63  }
0x87: {  	_ =	swait.ge [sflag:s3], $0x2800  }
0x88: {  	[sflag:s3] =	ssyncset.done $0x0  }
0x89: {  	[sflag:s3] =	ssyncadd.s32 $0xFFFFD800  }
0x8a: {  	[tilespmem:s31], [sflag:$0x2] =	stream.linear.gather [spmem:s21], $0x2800, $0x38;
	[tilespmem:$0x1F000] =	vst v63  }
0x8b: {  	_ =	swait.ge [sflag:s3], $0x2800  }
0x8c: {  	[sflag:s3] =	ssyncset.done $0x0  }
0x8d: {  	s16 =	rddreg [dreg:$0x5];
	[sflag:s3] =	ssyncadd.s32 $0xFFFFD800  }
0x8e: {  	[hbm4b:s16+s5] =	stream.linear.scatter [tilespmem:s31], [sflag:$0x2], $0x2800, $0x38;
	[tilespmem:$0x1F000] =	vst v63  }
0x8f: {  	_ =	swait.ge [sflag:s3], $0x2800  }
0x90: {  	[sflag:s3] =	ssyncset.done $0x0  }
0x91: {  	[sflag:s3] =	ssyncadd.s32 $0xFFFFD800  }
0x92: {  	[tilespmem:s31], [sflag:$0x2] =	stream.linear.gather [spmem:s23], $0x2800, $0x38;
	[tilespmem:$0x1F000] =	vst v63  }
0x93: {  	_ =	swait.ge [sflag:s3], $0x2800  }
0x94: {  	[sflag:s3] =	ssyncset.done $0x0  }
0x95: {  	s17 =	rddreg [dreg:$0x6];
	[sflag:s3] =	ssyncadd.s32 $0xFFFFD800  }
0x96: {  	[hbm4b:s17+s5] =	stream.linear.scatter [tilespmem:s31], [sflag:$0x2], $0x2800, $0x38;
	[tilespmem:$0x1F000] =	vst v63  }
0x97: {  	_ =	swait.ge [sflag:s3], $0x2800  }
0x98: {  	[sflag:s3] =	ssyncset.done $0x0  }
0x99: {  	[sflag:s3] =	ssyncadd.s32 $0xFFFFD800  }
0x9a: {  	[tilespmem:s31], [sflag:$0x2] =	stream.linear.gather [spmem:s24], $0x2800, $0x38;
	[tilespmem:$0x1F000] =	vst v63  }
0x9b: {  	_ =	swait.ge [sflag:s3], $0x2800  }
0x9c: {  	[sflag:s3] =	ssyncset.done $0x0  }
0x9d: {  	s20 =	rddreg [dreg:$0x7];
	[sflag:s3] =	ssyncadd.s32 $0xFFFFD800  }
0x9e: {  	[hbm4b:s20+s5] =	stream.linear.scatter [tilespmem:s31], [sflag:$0x2], $0x2800, $0x38;
	[tilespmem:$0x1F000] =	vst v63  }
0x9f: {  	_ =	swait.ge [sflag:s3], $0x2800  }
0xa0: {  	[sflag:s3] =	ssyncset.done $0x0  }
0xa1: {  	[sflag:s3] =	ssyncadd.s32 $0xFFFFD800  }
0xa2: {  	[tilespmem:s31], [sflag:$0x2] =	stream.linear.gather [spmem:s25], $0x2800, $0x38;
	[tilespmem:$0x1F000] =	vst v63  }
0xa3: {  	_ =	swait.ge [sflag:s3], $0x2800  }
0xa4: {  	[sflag:s3] =	ssyncset.done $0x0  }
0xa5: {  	s12 =	rddreg [dreg:$0x8];
	[sflag:s3] =	ssyncadd.s32 $0xFFFFD800  }
0xa6: {  	[hbm4b:s12+s5] =	stream.linear.scatter [tilespmem:s31], [sflag:$0x2], $0x2800, $0x38;
	[tilespmem:$0x1F000] =	vst v63  }
0xa7: {  	_ =	swait.ge [sflag:s3], $0x2800  }
0xa8: {  	[sflag:s3] =	ssyncset.done $0x0  }
0xa9: {  	[sflag:s3] =	ssyncadd.s32 $0xFFFFD800  }
0xaa: {  	[tilespmem:s31], [sflag:$0x2] =	stream.linear.gather [spmem:s26], $0x2800, $0x38;
	[tilespmem:$0x1F000] =	vst v63  }
0xab: {  	_ =	swait.ge [sflag:s3], $0x2800  }
0xac: {  	[sflag:s3] =	ssyncset.done $0x0  }
0xad: {  	s13 =	rddreg [dreg:$0x9];
	[sflag:s3] =	ssyncadd.s32 $0xFFFFD800  }
0xae: {  	[hbm4b:s13+s5] =	stream.linear.scatter [tilespmem:s31], [sflag:$0x2], $0x2800, $0x38;
	[tilespmem:$0x1F000] =	vst v63  }
0xaf: {  	_ =	swait.ge [sflag:s3], $0x2800  }
0xb0: {  	[sflag:s3] =	ssyncset.done $0x0  }
0xb1: {  	[sflag:s3] =	ssyncadd.s32 $0xFFFFD800  }
0xb2: {  	[tilespmem:s31], [sflag:$0x2] =	stream.linear.gather [spmem:s28], $0x2800, $0x38;
	[tilespmem:$0x1F000] =	vst v63  }
0xb3: {  	_ =	swait.ge [sflag:s3], $0x2800  }
0xb4: {  	[sflag:s3] =	ssyncset.done $0x0  }
0xb5: {  	s16 =	rddreg [dreg:$0xa];
	[sflag:s3] =	ssyncadd.s32 $0xFFFFD800  }
0xb6: {  	[hbm4b:s16+s5] =	stream.linear.scatter [tilespmem:s31], [sflag:$0x2], $0x2800, $0x38;
	[tilespmem:$0x1F000] =	vst v63  }
0xb7: {  	_ =	swait.ge [sflag:s3], $0x2800  }
0xb8: {  	[sflag:s3] =	ssyncset.done $0x0  }
0xb9: {  	[sflag:s3] =	ssyncadd.s32 $0xFFFFD800  }
0xba: {  	[tilespmem:s31], [sflag:$0x2] =	stream.linear.gather [spmem:s29], $0x2800, $0x38;
	[tilespmem:$0x1F000] =	vst v63  }
0xbb: {  	_ =	swait.ge [sflag:s3], $0x2800  }
0xbc: {  	[sflag:s3] =	ssyncset.done $0x0  }
0xbd: {  	s17 =	rddreg [dreg:$0xb];
	[sflag:s3] =	ssyncadd.s32 $0xFFFFD800  }
0xbe: {  	[hbm4b:s17+s5] =	stream.linear.scatter [tilespmem:s31], [sflag:$0x2], $0x2800, $0x38;
	[tilespmem:$0x1F000] =	vst v63  }
0xbf: {  	_ =	swait.ge [sflag:s3], $0x2800  }
0xc0: {  	[sflag:s3] =	ssyncset.done $0x0  }
0xc1: {  	[sflag:s3] =	ssyncadd.s32 $0xFFFFD800  }
0xc2: {  	[tilespmem:s31], [sflag:$0x2] =	stream.linear.gather [spmem:s30], $0x2800, $0x38;
	[tilespmem:$0x1F000] =	vst v63  }
0xc3: {  	s10 =	sadd.s32 $0x1, s10;
	_ =	swait.ge [sflag:s3], $0x2800  }
0xc4: {  	p0 =	sne.s32 s10, s22;
	[sflag:s3] =	ssyncset.done $0x0  }
.Ltmp3:
0xc5: {  	s20 =	rddreg [dreg:$0xc];
	[sflag:s3] =	ssyncadd.s32 $0xFFFFD800;
	(pc) =	sbr.rel @p0 .LBB2_1-.Ltmp3, $4  }
0xc6: {  	[hbm4b:s20+s5] =	stream.linear.scatter [tilespmem:s31], [sflag:$0x2], $0x2800, $0x38;
	[tilespmem:$0x1F000] =	vst v63  }
0xc7: {  	_ =	swait.ge [sflag:s3], $0x2800  }
0xc8: {  	[sflag:s3] =	ssyncset.done $0x0  }
0xc9: {  	[sflag:s3] =	ssyncadd.s32 $0xFFFFD800  }
0xca: {  	_ =	sfence.sel $0x180000  }
0xcb: {  	[bflag:$0x0] =	sbarrier.arrive $0xFFFF  }
0xcc: {  	_ =	strace $0x90000047  }
0xcd: {  	s0 =	stileid.u32;
	[bflag:$0x2] =	sbarrier.arrive $0xFFFF  }
0xce: {  	p0 =	sne.s32 s0, $0x0;
	s0 =	rddreg [dreg:$0x4]  }
0xcf: {  	s0 =	sadd.s32 @!p0 $0x100000, s0  }
0xd0: {  	[sflag:s0] =	ssyncadd.tile.s32 @!p0 $0x1;
	_ =	shalt  }
.Lfunc_end2:
_tile_overlayer_lowered:
.L_overlay_start_2:
0xd1: {  	(tag) =	ssettag $0x2  }
0xd2: {  	s0 =	rddreg [dreg:$0x0];
	s2 =	stileid.u32  }
0xd3: {  	s1 =	rddreg [dreg:$0x1];
	p0 =	sne.s32 s2, $0x0  }
0xd4: {  	s3 =	rddreg [dreg:$0x2];
	[bflag:$0x3] =	sbarrier.arrive $0xFFFF;
	s2 =	simm.s32 @!p0 $0x1C02  }
0xd5: {  	[timem:s3], [sflag:s2] =	dma.local @!p0 [hbm:s0], s1  }
0xd6: {  	s0 =	simm.s32 @!p0 $0x2  }
0xd7: {  	_ =	swait.ge @!p0 [sflag:s0], s1  }
0xd8: {  	s1 =	ssub.s32 @!p0 $0x0, s1;
	[sflag:s0] =	ssyncset.done @!p0 $0x0  }
0xd9: {  	[sflag:s0] =	ssyncadd.s32 @!p0 s1  }
0xda: {  	[bflag:$0x3] =	sbarrier.arrive $0xFFFF  }
0xdb: {  	_ =	shalt  }

</sc_bundles>
